<compile_context>
chip_gen: v7x
topology: tpu7x:2x2x1
jax: 0.10.2.dev20260603
libtpu: 0.0.44.dev20260713+nightly
codegen_flags: <defaults>
</compile_context>

<pallas_src>
import dataclasses

import jax
import jax.numpy as jnp
from jax import lax
from jax.experimental import pallas as pl
from jax.experimental.pallas import tpu as pltpu
from jax.experimental.pallas import tpu_sc as plsc

N_NODES = 10000
N_EDGES = 320000
K = 8
D_K = 16

NC = 2
NS = 16
NW = NC * NS
L = 16

EW = N_EDGES // NW
CHUNK = 2000
NCHUNK = EW // CHUNK
NGROUP = CHUNK // L


def _tc_table_body(h_ref, w_ref, o_ref):
    o_ref[...] = jnp.dot(h_ref[...], w_ref[...],
                         preferred_element_type=jnp.float32)


def _full(v):
    return jnp.full((L,), v, jnp.int32)


def _sc_edge_body(t_hbm, src_hbm, dst_hbm, out_hbm,
                  src_v, dst_v, rows_s, rows_d, out_v, sem, sem2):
    wid = lax.axis_index("c") * NS + lax.axis_index("s")
    base = wid * EW
    lane = lax.iota(jnp.int32, L)

    @pl.loop(0, NCHUNK)
    def _chunk(t):
        off = base + t * CHUNK
        pltpu.sync_copy(src_hbm.at[pl.ds(off, CHUNK)], src_v)
        pltpu.sync_copy(dst_hbm.at[pl.ds(off, CHUNK)], dst_v)
        cs = pltpu.async_copy(t_hbm.at[src_v], rows_s, sem)
        cd = pltpu.async_copy(t_hbm.at[dst_v], rows_d, sem2)
        cs.wait()
        cd.wait()

        @pl.loop(0, NGROUP)
        def _group(g):
            rows = g * L + lane
            a_s = [plsc.load_gather(rows_s, [rows, _full(i)])
                   for i in range(K)]
            a_d = [plsc.load_gather(rows_d, [rows, _full(K + j)])
                   for j in range(K)]
            scores = []
            for j in range(K):
                acc = None
                for i in range(K):
                    s = a_s[i] + a_d[j]
                    e = jnp.exp(jnp.maximum(s, 0.01 * s))
                    acc = e if acc is None else acc + e
                scores.append(acc)
            total = scores[0]
            for j in range(1, K):
                total = total + scores[j]
            inv = 1.0 / total
            for j in range(K):
                plsc.store_scatter(out_v, [rows, _full(j)], scores[j] * inv)

        pltpu.sync_copy(out_v, out_hbm.at[pl.ds(off, CHUNK)])


@jax.jit
def kernel(h, edges, W_lin, W_attn):
    edges = edges.astype(jnp.int32)
    src = edges[:, 0]
    dst = edges[:, 1]

    ws = W_attn[0, :D_K] @ W_lin
    wd = W_attn[0, D_K:] @ W_lin
    eye = jnp.eye(K, dtype=jnp.float32)
    W2 = jnp.concatenate([jnp.kron(eye, ws[:, None]),
                          jnp.kron(eye, wd[:, None])], axis=1)

    table = pl.pallas_call(
        _tc_table_body,
        out_shape=jax.ShapeDtypeStruct((N_NODES, 2 * K), jnp.float32),
    )(h.reshape(N_NODES, K * D_K), W2)

    cp = pltpu.CompilerParams(use_tc_tiling_on_sc=False)
    if "needs_layout_passes" in pltpu.CompilerParams.__dataclass_fields__:
        cp = dataclasses.replace(cp, needs_layout_passes=False)
    sc_kernel = pl.kernel(
        _sc_edge_body,
        out_type=jax.ShapeDtypeStruct((N_EDGES, K), jnp.float32),
        mesh=plsc.VectorSubcoreMesh(core_axis_name="c", subcore_axis_name="s"),
        compiler_params=cp,
        scratch_types=[
            pltpu.VMEM((CHUNK,), jnp.int32),
            pltpu.VMEM((CHUNK,), jnp.int32),
            pltpu.VMEM((CHUNK, 2 * K), jnp.float32),
            pltpu.VMEM((CHUNK, 2 * K), jnp.float32),
            pltpu.VMEM((CHUNK, K), jnp.float32),
            pltpu.SemaphoreType.DMA,
            pltpu.SemaphoreType.DMA,
        ],
    )
    attn = sc_kernel(table, src, dst)
    return attn.reshape(N_EDGES, K, 1)

# --- scband reference (transcript-rebuilt; emitter-appended) ---
"""Pipeline reference for scband-mfa-63067299775236 (READ-ONLY COPY).

The authoritative reference and input builder live on the scoring server;
editing this copy changes nothing except your own understanding.
"""

import jax, jax.numpy as jnp
import numpy as np

K = 8
D_K = 16
N_NODES = 10000
N_EDGES = 320000

def setup_inputs(seed: int = 0) -> dict:
    key = jax.random.key(seed)
    k1, k2, k3, k4 = jax.random.split(key, 4)
    h = jax.random.normal(k1, (N_NODES, K, D_K), dtype=jnp.float32)
    edges = jax.random.randint(k2, (N_EDGES, 2), 0, N_NODES, dtype=jnp.int64)
    # xavier-uniform-like init for Linear weights
    lim_lin = float(np.sqrt(6.0 / (D_K + D_K)))
    W_lin = jax.random.uniform(k3, (D_K, D_K), dtype=jnp.float32, minval=-lim_lin, maxval=lim_lin)
    lim_attn = float(np.sqrt(6.0 / (2 * D_K + 1)))
    W_attn = jax.random.uniform(k4, (1, 2 * D_K), dtype=jnp.float32, minval=-lim_attn, maxval=lim_attn)
    return {"h": h, "edges": edges, "W_lin": W_lin, "W_attn": W_attn}

def reference(h, edges, W_lin, W_attn):
    # linear_embedding (no bias): y = x @ W.T
    h_lin = jnp.einsum('nkd,ed->nke', h, W_lin)
    src_node = edges[:, 0]
    dst_node = edges[:, 1]
    src_embedding = jnp.take(h_lin, src_node, axis=0)  # [E, K, d_K]
    dst_embedding = jnp.take(h_lin, dst_node, axis=0)  # [E, K, d_K]
    K_range = jnp.arange(K)
    src_k_index = jnp.repeat(K_range, K)   # [K*K]
    dst_k_index = jnp.tile(K_range, K)     # [K*K]
    src_k_embedding = src_embedding[:, src_k_index, :]  # [E, K*K, d_K]
    dst_k_embedding = dst_embedding[:, dst_k_index, :]  # [E, K*K, d_K]
    cat = jnp.concatenate([src_k_embedding, dst_k_embedding], axis=2)  # [E, K*K, 2*d_K]
    logits = jnp.einsum('epd,od->epo', cat, W_attn)  # [E, K*K, 1]
    score = jnp.exp(jax.nn.leaky_relu(logits, negative_slope=0.01))
    score = score.reshape(-1, K, K).sum(axis=1)  # [E, K]
    attn = score / score.sum(axis=1, keepdims=True)
    return attn[:, :, None]  # [E, K, 1]

if __name__ == "__main__":
    import jax
    _d = setup_inputs()
    print(jax.jit(kernel)(*tuple(_d.values())))

</pallas_src>

<mosaic_0001>
#map = affine_map<(d0, d1) -> (0, 0)>
#map1 = affine_map<(d0, d1) -> (0)>
module attributes {stable_mosaic.version = 14 : i64} {
  func.func @_sc_edge_body(%arg0: i32, %arg1: i32, %arg2: memref<10000x16xf32, #tpu.memory_space<hbm>>, %arg3: memref<320000xi32, #tpu.memory_space<hbm>>, %arg4: memref<320000xi32, #tpu.memory_space<hbm>>, %arg5: memref<320000x8xf32, #tpu.memory_space<hbm>>, %arg6: memref<2000xi32, #tpu.memory_space<vmem>>, %arg7: memref<2000xi32, #tpu.memory_space<vmem>>, %arg8: memref<2000x16xf32, #tpu.memory_space<vmem>>, %arg9: memref<2000x16xf32, #tpu.memory_space<vmem>>, %arg10: memref<2000x8xf32, #tpu.memory_space<vmem>>, %arg11: memref<!tpu.dma_semaphore, #tpu.memory_space<semaphore_mem>>, %arg12: memref<!tpu.dma_semaphore, #tpu.memory_space<semaphore_mem>>) attributes {dimension_semantics = [#tpu.dimension_semantics<core_parallel>, #tpu.dimension_semantics<subcore_parallel>], iteration_bounds = array<i64: 2, 16>, scalar_prefetch = 0 : i64, scratch_operands = 7 : i64, tpu.core_type = #tpu.core_type<sc_vector_subcore>, window_params = [{transform_indices = #map}, {transform_indices = #map1}, {transform_indices = #map1}, {transform_indices = #map}]} {
    %mul3A = arith.constant 16 : i32
    %mul3A_0 = arith.muli %arg0, %mul3A : i32
    %add3A = arith.addi %mul3A_0, %arg1 : i32
    %mul3A_1 = arith.constant 10000 : i32
    %mul3A_2 = arith.muli %add3A, %mul3A_1 : i32
    %iota3A = tpu.iota {dimensions = array<i32: 0>} : vector<16xi32>
    %scan3A = arith.constant 0 : i32
    %scan3A_3 = arith.constant 5 : i32
    %scan3A_4 = arith.addi %scan3A, %scan3A_3 : i32
    %scan3A_5 = arith.constant 1 : i32
    scf.for %scan3A_7 = %scan3A to %scan3A_4 step %scan3A_5  : i32 {
      %mul3A_8 = arith.constant 1 : i32
      %mul3A_9 = arith.muli %scan3A_7, %mul3A_8 : i32
      %add3A_10 = arith.constant 0 : i32
      %add3A_11 = arith.addi %add3A_10, %mul3A_9 : i32
      %mul3A_12 = arith.constant 2000 : i32
      %mul3A_13 = arith.muli %add3A_11, %mul3A_12 : i32
      %add3A_14 = arith.addi %mul3A_2, %mul3A_13 : i32
      "tpu.region"() ({
        %run_scoped3A = tpu.sem_alloc : memref<!tpu.dma_semaphore, #tpu.memory_space<semaphore_mem>>
        %dma_start3A_30 = tpu.memref_slice %arg3[%add3A_14] : memref<320000xi32, #tpu.memory_space<hbm>> -> memref<2000xi32, #tpu.memory_space<hbm>>
        %dma_start3A_31 = tpu.memref_slice %arg3[%add3A_14] : memref<320000xi32, #tpu.memory_space<hbm>> -> memref<2000xi32, #tpu.memory_space<hbm>>
        tpu.enqueue_dma source(%dma_start3A_31 : memref<2000xi32, #tpu.memory_space<hbm>>) target(%arg6 : memref<2000xi32, #tpu.memory_space<vmem>>) target_semaphore(%run_scoped3A : memref<!tpu.dma_semaphore, #tpu.memory_space<semaphore_mem>>)
        %dma_wait3A_32 = tpu.memref_slice %arg3[%add3A_14] : memref<320000xi32, #tpu.memory_space<hbm>> -> memref<2000xi32, #tpu.memory_space<hbm>>
        %dma_wait3A_33 = tpu.memref_slice %arg3[%add3A_14] : memref<320000xi32, #tpu.memory_space<hbm>> -> memref<2000xi32, #tpu.memory_space<hbm>>
        tpu.wait_dma2 semaphore(%run_scoped3A : memref<!tpu.dma_semaphore, #tpu.memory_space<semaphore_mem>>) src(%dma_wait3A_33 : memref<2000xi32, #tpu.memory_space<hbm>>) dst(%arg6 : memref<2000xi32, #tpu.memory_space<vmem>>)
        tpu.yield
      }) : () -> ()
      "tpu.region"() ({
        %run_scoped3A = tpu.sem_alloc : memref<!tpu.dma_semaphore, #tpu.memory_space<semaphore_mem>>
        %dma_start3A_30 = tpu.memref_slice %arg4[%add3A_14] : memref<320000xi32, #tpu.memory_space<hbm>> -> memref<2000xi32, #tpu.memory_space<hbm>>
        %dma_start3A_31 = tpu.memref_slice %arg4[%add3A_14] : memref<320000xi32, #tpu.memory_space<hbm>> -> memref<2000xi32, #tpu.memory_space<hbm>>
        tpu.enqueue_dma source(%dma_start3A_31 : memref<2000xi32, #tpu.memory_space<hbm>>) target(%arg7 : memref<2000xi32, #tpu.memory_space<vmem>>) target_semaphore(%run_scoped3A : memref<!tpu.dma_semaphore, #tpu.memory_space<semaphore_mem>>)
        %dma_wait3A_32 = tpu.memref_slice %arg4[%add3A_14] : memref<320000xi32, #tpu.memory_space<hbm>> -> memref<2000xi32, #tpu.memory_space<hbm>>
        %dma_wait3A_33 = tpu.memref_slice %arg4[%add3A_14] : memref<320000xi32, #tpu.memory_space<hbm>> -> memref<2000xi32, #tpu.memory_space<hbm>>
        tpu.wait_dma2 semaphore(%run_scoped3A : memref<!tpu.dma_semaphore, #tpu.memory_space<semaphore_mem>>) src(%dma_wait3A_33 : memref<2000xi32, #tpu.memory_space<hbm>>) dst(%arg7 : memref<2000xi32, #tpu.memory_space<vmem>>)
        tpu.yield
      }) : () -> ()
      %dma_start3A = arith.constant 0 : i32
      %dma_start3A_15 = arith.constant 0 : i32
      %dma_start3A_16 = tpu.memref_slice %arg2[%dma_start3A, %dma_start3A_15] : memref<10000x16xf32, #tpu.memory_space<hbm>> -> memref<10000x16xf32, #tpu.memory_space<hbm>>
      tpu.enqueue_indirect_dma source(%dma_start3A_16 : memref<10000x16xf32, #tpu.memory_space<hbm>>) target(%arg8 : memref<2000x16xf32, #tpu.memory_space<vmem>>) offsets(%arg6 : memref<2000xi32, #tpu.memory_space<vmem>>) semaphore(%arg11 : memref<!tpu.dma_semaphore, #tpu.memory_space<semaphore_mem>>)
      %dma_start3A_17 = arith.constant 0 : i32
      %dma_start3A_18 = arith.constant 0 : i32
      %dma_start3A_19 = tpu.memref_slice %arg2[%dma_start3A_17, %dma_start3A_18] : memref<10000x16xf32, #tpu.memory_space<hbm>> -> memref<10000x16xf32, #tpu.memory_space<hbm>>
      tpu.enqueue_indirect_dma source(%dma_start3A_19 : memref<10000x16xf32, #tpu.memory_space<hbm>>) target(%arg9 : memref<2000x16xf32, #tpu.memory_space<vmem>>) offsets(%arg7 : memref<2000xi32, #tpu.memory_space<vmem>>) semaphore(%arg12 : memref<!tpu.dma_semaphore, #tpu.memory_space<semaphore_mem>>)
      %dma_wait3A = arith.constant 0 : i32
      %dma_wait3A_20 = arith.constant 0 : i32
      %dma_wait3A_21 = tpu.memref_slice %arg2[%dma_wait3A, %dma_wait3A_20] : memref<10000x16xf32, #tpu.memory_space<hbm>> -> memref<10000x16xf32, #tpu.memory_space<hbm>>
      tpu.wait_indirect_dma semaphore(%arg11 : memref<!tpu.dma_semaphore, #tpu.memory_space<semaphore_mem>>) src(%dma_wait3A_21 : memref<10000x16xf32, #tpu.memory_space<hbm>>) dst(%arg8 : memref<2000x16xf32, #tpu.memory_space<vmem>>)
      %dma_wait3A_22 = arith.constant 0 : i32
      %dma_wait3A_23 = arith.constant 0 : i32
      %dma_wait3A_24 = tpu.memref_slice %arg2[%dma_wait3A_22, %dma_wait3A_23] : memref<10000x16xf32, #tpu.memory_space<hbm>> -> memref<10000x16xf32, #tpu.memory_space<hbm>>
      tpu.wait_indirect_dma semaphore(%arg12 : memref<!tpu.dma_semaphore, #tpu.memory_space<semaphore_mem>>) src(%dma_wait3A_24 : memref<10000x16xf32, #tpu.memory_space<hbm>>) dst(%arg9 : memref<2000x16xf32, #tpu.memory_space<vmem>>)
      %scan3A_25 = arith.constant 0 : i32
      %scan3A_26 = arith.constant 125 : i32
      %scan3A_27 = arith.addi %scan3A_25, %scan3A_26 : i32
      %scan3A_28 = arith.constant 1 : i32
      scf.for %scan3A_30 = %scan3A_25 to %scan3A_27 step %scan3A_28  : i32 {
        %mul3A_31 = arith.constant 1 : i32
        %mul3A_32 = arith.muli %scan3A_30, %mul3A_31 : i32
        %add3A_33 = arith.constant 0 : i32
        %add3A_34 = arith.addi %add3A_33, %mul3A_32 : i32
        %mul3A_35 = arith.constant 16 : i32
        %mul3A_36 = arith.muli %add3A_34, %mul3A_35 : i32
        %add3A_37 = vector.broadcast %mul3A_36 : i32 to vector<16xi32>
        %add3A_38 = arith.addi %add3A_37, %iota3A : vector<16xi32>
        %broadcast_in_dim3A = arith.constant 0 : i32
        %broadcast_in_dim3A_39 = vector.broadcast %broadcast_in_dim3A : i32 to vector<16xi32>
        %gather3A = tpu.vector_load_idx %arg8[%add3A_38, %broadcast_in_dim3A_39] : memref<2000x16xf32, #tpu.memory_space<vmem>>[vector<16xi32>, vector<16xi32>], vector<16xf32>,
        %broadcast_in_dim3A_40 = arith.constant 1 : i32
        %broadcast_in_dim3A_41 = vector.broadcast %broadcast_in_dim3A_40 : i32 to vector<16xi32>
        %gather3A_42 = tpu.vector_load_idx %arg8[%add3A_38, %broadcast_in_dim3A_41] : memref<2000x16xf32, #tpu.memory_space<vmem>>[vector<16xi32>, vector<16xi32>], vector<16xf32>,
        %broadcast_in_dim3A_43 = arith.constant 2 : i32
        %broadcast_in_dim3A_44 = vector.broadcast %broadcast_in_dim3A_43 : i32 to vector<16xi32>
        %gather3A_45 = tpu.vector_load_idx %arg8[%add3A_38, %broadcast_in_dim3A_44] : memref<2000x16xf32, #tpu.memory_space<vmem>>[vector<16xi32>, vector<16xi32>], vector<16xf32>,
        %broadcast_in_dim3A_46 = arith.constant 3 : i32
        %broadcast_in_dim3A_47 = vector.broadcast %broadcast_in_dim3A_46 : i32 to vector<16xi32>
        %gather3A_48 = tpu.vector_load_idx %arg8[%add3A_38, %broadcast_in_dim3A_47] : memref<2000x16xf32, #tpu.memory_space<vmem>>[vector<16xi32>, vector<16xi32>], vector<16xf32>,
        %broadcast_in_dim3A_49 = arith.constant 4 : i32
        %broadcast_in_dim3A_50 = vector.broadcast %broadcast_in_dim3A_49 : i32 to vector<16xi32>
        %gather3A_51 = tpu.vector_load_idx %arg8[%add3A_38, %broadcast_in_dim3A_50] : memref<2000x16xf32, #tpu.memory_space<vmem>>[vector<16xi32>, vector<16xi32>], vector<16xf32>,
        %broadcast_in_dim3A_52 = arith.constant 5 : i32
        %broadcast_in_dim3A_53 = vector.broadcast %broadcast_in_dim3A_52 : i32 to vector<16xi32>
        %gather3A_54 = tpu.vector_load_idx %arg8[%add3A_38, %broadcast_in_dim3A_53] : memref<2000x16xf32, #tpu.memory_space<vmem>>[vector<16xi32>, vector<16xi32>], vector<16xf32>,
        %broadcast_in_dim3A_55 = arith.constant 6 : i32
        %broadcast_in_dim3A_56 = vector.broadcast %broadcast_in_dim3A_55 : i32 to vector<16xi32>
        %gather3A_57 = tpu.vector_load_idx %arg8[%add3A_38, %broadcast_in_dim3A_56] : memref<2000x16xf32, #tpu.memory_space<vmem>>[vector<16xi32>, vector<16xi32>], vector<16xf32>,
        %broadcast_in_dim3A_58 = arith.constant 7 : i32
        %broadcast_in_dim3A_59 = vector.broadcast %broadcast_in_dim3A_58 : i32 to vector<16xi32>
        %gather3A_60 = tpu.vector_load_idx %arg8[%add3A_38, %broadcast_in_dim3A_59] : memref<2000x16xf32, #tpu.memory_space<vmem>>[vector<16xi32>, vector<16xi32>], vector<16xf32>,
        %broadcast_in_dim3A_61 = arith.constant 8 : i32
        %broadcast_in_dim3A_62 = vector.broadcast %broadcast_in_dim3A_61 : i32 to vector<16xi32>
        %gather3A_63 = tpu.vector_load_idx %arg9[%add3A_38, %broadcast_in_dim3A_62] : memref<2000x16xf32, #tpu.memory_space<vmem>>[vector<16xi32>, vector<16xi32>], vector<16xf32>,
        %broadcast_in_dim3A_64 = arith.constant 9 : i32
        %broadcast_in_dim3A_65 = vector.broadcast %broadcast_in_dim3A_64 : i32 to vector<16xi32>
        %gather3A_66 = tpu.vector_load_idx %arg9[%add3A_38, %broadcast_in_dim3A_65] : memref<2000x16xf32, #tpu.memory_space<vmem>>[vector<16xi32>, vector<16xi32>], vector<16xf32>,
        %broadcast_in_dim3A_67 = arith.constant 10 : i32
        %broadcast_in_dim3A_68 = vector.broadcast %broadcast_in_dim3A_67 : i32 to vector<16xi32>
        %gather3A_69 = tpu.vector_load_idx %arg9[%add3A_38, %broadcast_in_dim3A_68] : memref<2000x16xf32, #tpu.memory_space<vmem>>[vector<16xi32>, vector<16xi32>], vector<16xf32>,
        %broadcast_in_dim3A_70 = arith.constant 11 : i32
        %broadcast_in_dim3A_71 = vector.broadcast %broadcast_in_dim3A_70 : i32 to vector<16xi32>
        %gather3A_72 = tpu.vector_load_idx %arg9[%add3A_38, %broadcast_in_dim3A_71] : memref<2000x16xf32, #tpu.memory_space<vmem>>[vector<16xi32>, vector<16xi32>], vector<16xf32>,
        %broadcast_in_dim3A_73 = arith.constant 12 : i32
        %broadcast_in_dim3A_74 = vector.broadcast %broadcast_in_dim3A_73 : i32 to vector<16xi32>
        %gather3A_75 = tpu.vector_load_idx %arg9[%add3A_38, %broadcast_in_dim3A_74] : memref<2000x16xf32, #tpu.memory_space<vmem>>[vector<16xi32>, vector<16xi32>], vector<16xf32>,
        %broadcast_in_dim3A_76 = arith.constant 13 : i32
        %broadcast_in_dim3A_77 = vector.broadcast %broadcast_in_dim3A_76 : i32 to vector<16xi32>
        %gather3A_78 = tpu.vector_load_idx %arg9[%add3A_38, %broadcast_in_dim3A_77] : memref<2000x16xf32, #tpu.memory_space<vmem>>[vector<16xi32>, vector<16xi32>], vector<16xf32>,
        %broadcast_in_dim3A_79 = arith.constant 14 : i32
        %broadcast_in_dim3A_80 = vector.broadcast %broadcast_in_dim3A_79 : i32 to vector<16xi32>
        %gather3A_81 = tpu.vector_load_idx %arg9[%add3A_38, %broadcast_in_dim3A_80] : memref<2000x16xf32, #tpu.memory_space<vmem>>[vector<16xi32>, vector<16xi32>], vector<16xf32>,
        %broadcast_in_dim3A_82 = arith.constant 15 : i32
        %broadcast_in_dim3A_83 = vector.broadcast %broadcast_in_dim3A_82 : i32 to vector<16xi32>
        %gather3A_84 = tpu.vector_load_idx %arg9[%add3A_38, %broadcast_in_dim3A_83] : memref<2000x16xf32, #tpu.memory_space<vmem>>[vector<16xi32>, vector<16xi32>], vector<16xf32>,
        %add3A_85 = arith.addf %gather3A, %gather3A_63 : vector<16xf32>
        %mul3A_86 = arith.constant 0.00999999977 : f32
        %mul3A_87 = vector.broadcast %mul3A_86 : f32 to vector<16xf32>
        %mul3A_88 = arith.mulf %mul3A_87, %add3A_85 : vector<16xf32>
        %max3A = arith.maximumf %add3A_85, %mul3A_88 : vector<16xf32>
        %exp3A = math.exp %max3A : vector<16xf32>
        %add3A_89 = arith.addf %gather3A_42, %gather3A_63 : vector<16xf32>
        %mul3A_90 = arith.constant 0.00999999977 : f32
        %mul3A_91 = vector.broadcast %mul3A_90 : f32 to vector<16xf32>
        %mul3A_92 = arith.mulf %mul3A_91, %add3A_89 : vector<16xf32>
        %max3A_93 = arith.maximumf %add3A_89, %mul3A_92 : vector<16xf32>
        %exp3A_94 = math.exp %max3A_93 : vector<16xf32>
        %add3A_95 = arith.addf %exp3A, %exp3A_94 : vector<16xf32>
        %add3A_96 = arith.addf %gather3A_45, %gather3A_63 : vector<16xf32>
        %mul3A_97 = arith.constant 0.00999999977 : f32
        %mul3A_98 = vector.broadcast %mul3A_97 : f32 to vector<16xf32>
        %mul3A_99 = arith.mulf %mul3A_98, %add3A_96 : vector<16xf32>
        %max3A_100 = arith.maximumf %add3A_96, %mul3A_99 : vector<16xf32>
        %exp3A_101 = math.exp %max3A_100 : vector<16xf32>
        %add3A_102 = arith.addf %add3A_95, %exp3A_101 : vector<16xf32>
        %add3A_103 = arith.addf %gather3A_48, %gather3A_63 : vector<16xf32>
        %mul3A_104 = arith.constant 0.00999999977 : f32
        %mul3A_105 = vector.broadcast %mul3A_104 : f32 to vector<16xf32>
        %mul3A_106 = arith.mulf %mul3A_105, %add3A_103 : vector<16xf32>
        %max3A_107 = arith.maximumf %add3A_103, %mul3A_106 : vector<16xf32>
        %exp3A_108 = math.exp %max3A_107 : vector<16xf32>
        %add3A_109 = arith.addf %add3A_102, %exp3A_108 : vector<16xf32>
        %add3A_110 = arith.addf %gather3A_51, %gather3A_63 : vector<16xf32>
        %mul3A_111 = arith.constant 0.00999999977 : f32
        %mul3A_112 = vector.broadcast %mul3A_111 : f32 to vector<16xf32>
        %mul3A_113 = arith.mulf %mul3A_112, %add3A_110 : vector<16xf32>
        %max3A_114 = arith.maximumf %add3A_110, %mul3A_113 : vector<16xf32>
        %exp3A_115 = math.exp %max3A_114 : vector<16xf32>
        %add3A_116 = arith.addf %add3A_109, %exp3A_115 : vector<16xf32>
        %add3A_117 = arith.addf %gather3A_54, %gather3A_63 : vector<16xf32>
        %mul3A_118 = arith.constant 0.00999999977 : f32
        %mul3A_119 = vector.broadcast %mul3A_118 : f32 to vector<16xf32>
        %mul3A_120 = arith.mulf %mul3A_119, %add3A_117 : vector<16xf32>
        %max3A_121 = arith.maximumf %add3A_117, %mul3A_120 : vector<16xf32>
        %exp3A_122 = math.exp %max3A_121 : vector<16xf32>
        %add3A_123 = arith.addf %add3A_116, %exp3A_122 : vector<16xf32>
        %add3A_124 = arith.addf %gather3A_57, %gather3A_63 : vector<16xf32>
        %mul3A_125 = arith.constant 0.00999999977 : f32
        %mul3A_126 = vector.broadcast %mul3A_125 : f32 to vector<16xf32>
        %mul3A_127 = arith.mulf %mul3A_126, %add3A_124 : vector<16xf32>
        %max3A_128 = arith.maximumf %add3A_124, %mul3A_127 : vector<16xf32>
        %exp3A_129 = math.exp %max3A_128 : vector<16xf32>
        %add3A_130 = arith.addf %add3A_123, %exp3A_129 : vector<16xf32>
        %add3A_131 = arith.addf %gather3A_60, %gather3A_63 : vector<16xf32>
        %mul3A_132 = arith.constant 0.00999999977 : f32
        %mul3A_133 = vector.broadcast %mul3A_132 : f32 to vector<16xf32>
        %mul3A_134 = arith.mulf %mul3A_133, %add3A_131 : vector<16xf32>
        %max3A_135 = arith.maximumf %add3A_131, %mul3A_134 : vector<16xf32>
        %exp3A_136 = math.exp %max3A_135 : vector<16xf32>
        %add3A_137 = arith.addf %add3A_130, %exp3A_136 : vector<16xf32>
        %add3A_138 = arith.addf %gather3A, %gather3A_66 : vector<16xf32>
        %mul3A_139 = arith.constant 0.00999999977 : f32
        %mul3A_140 = vector.broadcast %mul3A_139 : f32 to vector<16xf32>
        %mul3A_141 = arith.mulf %mul3A_140, %add3A_138 : vector<16xf32>
        %max3A_142 = arith.maximumf %add3A_138, %mul3A_141 : vector<16xf32>
        %exp3A_143 = math.exp %max3A_142 : vector<16xf32>
        %add3A_144 = arith.addf %gather3A_42, %gather3A_66 : vector<16xf32>
        %mul3A_145 = arith.constant 0.00999999977 : f32
        %mul3A_146 = vector.broadcast %mul3A_145 : f32 to vector<16xf32>
        %mul3A_147 = arith.mulf %mul3A_146, %add3A_144 : vector<16xf32>
        %max3A_148 = arith.maximumf %add3A_144, %mul3A_147 : vector<16xf32>
        %exp3A_149 = math.exp %max3A_148 : vector<16xf32>
        %add3A_150 = arith.addf %exp3A_143, %exp3A_149 : vector<16xf32>
        %add3A_151 = arith.addf %gather3A_45, %gather3A_66 : vector<16xf32>
        %mul3A_152 = arith.constant 0.00999999977 : f32
        %mul3A_153 = vector.broadcast %mul3A_152 : f32 to vector<16xf32>
        %mul3A_154 = arith.mulf %mul3A_153, %add3A_151 : vector<16xf32>
        %max3A_155 = arith.maximumf %add3A_151, %mul3A_154 : vector<16xf32>
        %exp3A_156 = math.exp %max3A_155 : vector<16xf32>
        %add3A_157 = arith.addf %add3A_150, %exp3A_156 : vector<16xf32>
        %add3A_158 = arith.addf %gather3A_48, %gather3A_66 : vector<16xf32>
        %mul3A_159 = arith.constant 0.00999999977 : f32
        %mul3A_160 = vector.broadcast %mul3A_159 : f32 to vector<16xf32>
        %mul3A_161 = arith.mulf %mul3A_160, %add3A_158 : vector<16xf32>
        %max3A_162 = arith.maximumf %add3A_158, %mul3A_161 : vector<16xf32>
        %exp3A_163 = math.exp %max3A_162 : vector<16xf32>
        %add3A_164 = arith.addf %add3A_157, %exp3A_163 : vector<16xf32>
        %add3A_165 = arith.addf %gather3A_51, %gather3A_66 : vector<16xf32>
        %mul3A_166 = arith.constant 0.00999999977 : f32
        %mul3A_167 = vector.broadcast %mul3A_166 : f32 to vector<16xf32>
        %mul3A_168 = arith.mulf %mul3A_167, %add3A_165 : vector<16xf32>
        %max3A_169 = arith.maximumf %add3A_165, %mul3A_168 : vector<16xf32>
        %exp3A_170 = math.exp %max3A_169 : vector<16xf32>
        %add3A_171 = arith.addf %add3A_164, %exp3A_170 : vector<16xf32>
        %add3A_172 = arith.addf %gather3A_54, %gather3A_66 : vector<16xf32>
        %mul3A_173 = arith.constant 0.00999999977 : f32
        %mul3A_174 = vector.broadcast %mul3A_173 : f32 to vector<16xf32>
        %mul3A_175 = arith.mulf %mul3A_174, %add3A_172 : vector<16xf32>
        %max3A_176 = arith.maximumf %add3A_172, %mul3A_175 : vector<16xf32>
        %exp3A_177 = math.exp %max3A_176 : vector<16xf32>
        %add3A_178 = arith.addf %add3A_171, %exp3A_177 : vector<16xf32>
        %add3A_179 = arith.addf %gather3A_57, %gather3A_66 : vector<16xf32>
        %mul3A_180 = arith.constant 0.00999999977 : f32
        %mul3A_181 = vector.broadcast %mul3A_180 : f32 to vector<16xf32>
        %mul3A_182 = arith.mulf %mul3A_181, %add3A_179 : vector<16xf32>
        %max3A_183 = arith.maximumf %add3A_179, %mul3A_182 : vector<16xf32>
        %exp3A_184 = math.exp %max3A_183 : vector<16xf32>
        %add3A_185 = arith.addf %add3A_178, %exp3A_184 : vector<16xf32>
        %add3A_186 = arith.addf %gather3A_60, %gather3A_66 : vector<16xf32>
        %mul3A_187 = arith.constant 0.00999999977 : f32
        %mul3A_188 = vector.broadcast %mul3A_187 : f32 to vector<16xf32>
        %mul3A_189 = arith.mulf %mul3A_188, %add3A_186 : vector<16xf32>
        %max3A_190 = arith.maximumf %add3A_186, %mul3A_189 : vector<16xf32>
        %exp3A_191 = math.exp %max3A_190 : vector<16xf32>
        %add3A_192 = arith.addf %add3A_185, %exp3A_191 : vector<16xf32>
        %add3A_193 = arith.addf %gather3A, %gather3A_69 : vector<16xf32>
        %mul3A_194 = arith.constant 0.00999999977 : f32
        %mul3A_195 = vector.broadcast %mul3A_194 : f32 to vector<16xf32>
        %mul3A_196 = arith.mulf %mul3A_195, %add3A_193 : vector<16xf32>
        %max3A_197 = arith.maximumf %add3A_193, %mul3A_196 : vector<16xf32>
        %exp3A_198 = math.exp %max3A_197 : vector<16xf32>
        %add3A_199 = arith.addf %gather3A_42, %gather3A_69 : vector<16xf32>
        %mul3A_200 = arith.constant 0.00999999977 : f32
        %mul3A_201 = vector.broadcast %mul3A_200 : f32 to vector<16xf32>
        %mul3A_202 = arith.mulf %mul3A_201, %add3A_199 : vector<16xf32>
        %max3A_203 = arith.maximumf %add3A_199, %mul3A_202 : vector<16xf32>
        %exp3A_204 = math.exp %max3A_203 : vector<16xf32>
        %add3A_205 = arith.addf %exp3A_198, %exp3A_204 : vector<16xf32>
        %add3A_206 = arith.addf %gather3A_45, %gather3A_69 : vector<16xf32>
        %mul3A_207 = arith.constant 0.00999999977 : f32
        %mul3A_208 = vector.broadcast %mul3A_207 : f32 to vector<16xf32>
        %mul3A_209 = arith.mulf %mul3A_208, %add3A_206 : vector<16xf32>
        %max3A_210 = arith.maximumf %add3A_206, %mul3A_209 : vector<16xf32>
        %exp3A_211 = math.exp %max3A_210 : vector<16xf32>
        %add3A_212 = arith.addf %add3A_205, %exp3A_211 : vector<16xf32>
        %add3A_213 = arith.addf %gather3A_48, %gather3A_69 : vector<16xf32>
        %mul3A_214 = arith.constant 0.00999999977 : f32
        %mul3A_215 = vector.broadcast %mul3A_214 : f32 to vector<16xf32>
        %mul3A_216 = arith.mulf %mul3A_215, %add3A_213 : vector<16xf32>
        %max3A_217 = arith.maximumf %add3A_213, %mul3A_216 : vector<16xf32>
        %exp3A_218 = math.exp %max3A_217 : vector<16xf32>
        %add3A_219 = arith.addf %add3A_212, %exp3A_218 : vector<16xf32>
        %add3A_220 = arith.addf %gather3A_51, %gather3A_69 : vector<16xf32>
        %mul3A_221 = arith.constant 0.00999999977 : f32
        %mul3A_222 = vector.broadcast %mul3A_221 : f32 to vector<16xf32>
        %mul3A_223 = arith.mulf %mul3A_222, %add3A_220 : vector<16xf32>
        %max3A_224 = arith.maximumf %add3A_220, %mul3A_223 : vector<16xf32>
        %exp3A_225 = math.exp %max3A_224 : vector<16xf32>
        %add3A_226 = arith.addf %add3A_219, %exp3A_225 : vector<16xf32>
        %add3A_227 = arith.addf %gather3A_54, %gather3A_69 : vector<16xf32>
        %mul3A_228 = arith.constant 0.00999999977 : f32
        %mul3A_229 = vector.broadcast %mul3A_228 : f32 to vector<16xf32>
        %mul3A_230 = arith.mulf %mul3A_229, %add3A_227 : vector<16xf32>
        %max3A_231 = arith.maximumf %add3A_227, %mul3A_230 : vector<16xf32>
        %exp3A_232 = math.exp %max3A_231 : vector<16xf32>
        %add3A_233 = arith.addf %add3A_226, %exp3A_232 : vector<16xf32>
        %add3A_234 = arith.addf %gather3A_57, %gather3A_69 : vector<16xf32>
        %mul3A_235 = arith.constant 0.00999999977 : f32
        %mul3A_236 = vector.broadcast %mul3A_235 : f32 to vector<16xf32>
        %mul3A_237 = arith.mulf %mul3A_236, %add3A_234 : vector<16xf32>
        %max3A_238 = arith.maximumf %add3A_234, %mul3A_237 : vector<16xf32>
        %exp3A_239 = math.exp %max3A_238 : vector<16xf32>
        %add3A_240 = arith.addf %add3A_233, %exp3A_239 : vector<16xf32>
        %add3A_241 = arith.addf %gather3A_60, %gather3A_69 : vector<16xf32>
        %mul3A_242 = arith.constant 0.00999999977 : f32
        %mul3A_243 = vector.broadcast %mul3A_242 : f32 to vector<16xf32>
        %mul3A_244 = arith.mulf %mul3A_243, %add3A_241 : vector<16xf32>
        %max3A_245 = arith.maximumf %add3A_241, %mul3A_244 : vector<16xf32>
        %exp3A_246 = math.exp %max3A_245 : vector<16xf32>
        %add3A_247 = arith.addf %add3A_240, %exp3A_246 : vector<16xf32>
        %add3A_248 = arith.addf %gather3A, %gather3A_72 : vector<16xf32>
        %mul3A_249 = arith.constant 0.00999999977 : f32
        %mul3A_250 = vector.broadcast %mul3A_249 : f32 to vector<16xf32>
        %mul3A_251 = arith.mulf %mul3A_250, %add3A_248 : vector<16xf32>
        %max3A_252 = arith.maximumf %add3A_248, %mul3A_251 : vector<16xf32>
        %exp3A_253 = math.exp %max3A_252 : vector<16xf32>
        %add3A_254 = arith.addf %gather3A_42, %gather3A_72 : vector<16xf32>
        %mul3A_255 = arith.constant 0.00999999977 : f32
        %mul3A_256 = vector.broadcast %mul3A_255 : f32 to vector<16xf32>
        %mul3A_257 = arith.mulf %mul3A_256, %add3A_254 : vector<16xf32>
        %max3A_258 = arith.maximumf %add3A_254, %mul3A_257 : vector<16xf32>
        %exp3A_259 = math.exp %max3A_258 : vector<16xf32>
        %add3A_260 = arith.addf %exp3A_253, %exp3A_259 : vector<16xf32>
        %add3A_261 = arith.addf %gather3A_45, %gather3A_72 : vector<16xf32>
        %mul3A_262 = arith.constant 0.00999999977 : f32
        %mul3A_263 = vector.broadcast %mul3A_262 : f32 to vector<16xf32>
        %mul3A_264 = arith.mulf %mul3A_263, %add3A_261 : vector<16xf32>
        %max3A_265 = arith.maximumf %add3A_261, %mul3A_264 : vector<16xf32>
        %exp3A_266 = math.exp %max3A_265 : vector<16xf32>
        %add3A_267 = arith.addf %add3A_260, %exp3A_266 : vector<16xf32>
        %add3A_268 = arith.addf %gather3A_48, %gather3A_72 : vector<16xf32>
        %mul3A_269 = arith.constant 0.00999999977 : f32
        %mul3A_270 = vector.broadcast %mul3A_269 : f32 to vector<16xf32>
        %mul3A_271 = arith.mulf %mul3A_270, %add3A_268 : vector<16xf32>
        %max3A_272 = arith.maximumf %add3A_268, %mul3A_271 : vector<16xf32>
        %exp3A_273 = math.exp %max3A_272 : vector<16xf32>
        %add3A_274 = arith.addf %add3A_267, %exp3A_273 : vector<16xf32>
        %add3A_275 = arith.addf %gather3A_51, %gather3A_72 : vector<16xf32>
        %mul3A_276 = arith.constant 0.00999999977 : f32
        %mul3A_277 = vector.broadcast %mul3A_276 : f32 to vector<16xf32>
        %mul3A_278 = arith.mulf %mul3A_277, %add3A_275 : vector<16xf32>
        %max3A_279 = arith.maximumf %add3A_275, %mul3A_278 : vector<16xf32>
        %exp3A_280 = math.exp %max3A_279 : vector<16xf32>
        %add3A_281 = arith.addf %add3A_274, %exp3A_280 : vector<16xf32>
        %add3A_282 = arith.addf %gather3A_54, %gather3A_72 : vector<16xf32>
        %mul3A_283 = arith.constant 0.00999999977 : f32
        %mul3A_284 = vector.broadcast %mul3A_283 : f32 to vector<16xf32>
        %mul3A_285 = arith.mulf %mul3A_284, %add3A_282 : vector<16xf32>
        %max3A_286 = arith.maximumf %add3A_282, %mul3A_285 : vector<16xf32>
        %exp3A_287 = math.exp %max3A_286 : vector<16xf32>
        %add3A_288 = arith.addf %add3A_281, %exp3A_287 : vector<16xf32>
        %add3A_289 = arith.addf %gather3A_57, %gather3A_72 : vector<16xf32>
        %mul3A_290 = arith.constant 0.00999999977 : f32
        %mul3A_291 = vector.broadcast %mul3A_290 : f32 to vector<16xf32>
        %mul3A_292 = arith.mulf %mul3A_291, %add3A_289 : vector<16xf32>
        %max3A_293 = arith.maximumf %add3A_289, %mul3A_292 : vector<16xf32>
        %exp3A_294 = math.exp %max3A_293 : vector<16xf32>
        %add3A_295 = arith.addf %add3A_288, %exp3A_294 : vector<16xf32>
        %add3A_296 = arith.addf %gather3A_60, %gather3A_72 : vector<16xf32>
        %mul3A_297 = arith.constant 0.00999999977 : f32
        %mul3A_298 = vector.broadcast %mul3A_297 : f32 to vector<16xf32>
        %mul3A_299 = arith.mulf %mul3A_298, %add3A_296 : vector<16xf32>
        %max3A_300 = arith.maximumf %add3A_296, %mul3A_299 : vector<16xf32>
        %exp3A_301 = math.exp %max3A_300 : vector<16xf32>
        %add3A_302 = arith.addf %add3A_295, %exp3A_301 : vector<16xf32>
        %add3A_303 = arith.addf %gather3A, %gather3A_75 : vector<16xf32>
        %mul3A_304 = arith.constant 0.00999999977 : f32
        %mul3A_305 = vector.broadcast %mul3A_304 : f32 to vector<16xf32>
        %mul3A_306 = arith.mulf %mul3A_305, %add3A_303 : vector<16xf32>
        %max3A_307 = arith.maximumf %add3A_303, %mul3A_306 : vector<16xf32>
        %exp3A_308 = math.exp %max3A_307 : vector<16xf32>
        %add3A_309 = arith.addf %gather3A_42, %gather3A_75 : vector<16xf32>
        %mul3A_310 = arith.constant 0.00999999977 : f32
        %mul3A_311 = vector.broadcast %mul3A_310 : f32 to vector<16xf32>
        %mul3A_312 = arith.mulf %mul3A_311, %add3A_309 : vector<16xf32>
        %max3A_313 = arith.maximumf %add3A_309, %mul3A_312 : vector<16xf32>
        %exp3A_314 = math.exp %max3A_313 : vector<16xf32>
        %add3A_315 = arith.addf %exp3A_308, %exp3A_314 : vector<16xf32>
        %add3A_316 = arith.addf %gather3A_45, %gather3A_75 : vector<16xf32>
        %mul3A_317 = arith.constant 0.00999999977 : f32
        %mul3A_318 = vector.broadcast %mul3A_317 : f32 to vector<16xf32>
        %mul3A_319 = arith.mulf %mul3A_318, %add3A_316 : vector<16xf32>
        %max3A_320 = arith.maximumf %add3A_316, %mul3A_319 : vector<16xf32>
        %exp3A_321 = math.exp %max3A_320 : vector<16xf32>
        %add3A_322 = arith.addf %add3A_315, %exp3A_321 : vector<16xf32>
        %add3A_323 = arith.addf %gather3A_48, %gather3A_75 : vector<16xf32>
        %mul3A_324 = arith.constant 0.00999999977 : f32
        %mul3A_325 = vector.broadcast %mul3A_324 : f32 to vector<16xf32>
        %mul3A_326 = arith.mulf %mul3A_325, %add3A_323 : vector<16xf32>
        %max3A_327 = arith.maximumf %add3A_323, %mul3A_326 : vector<16xf32>
        %exp3A_328 = math.exp %max3A_327 : vector<16xf32>
        %add3A_329 = arith.addf %add3A_322, %exp3A_328 : vector<16xf32>
        %add3A_330 = arith.addf %gather3A_51, %gather3A_75 : vector<16xf32>
        %mul3A_331 = arith.constant 0.00999999977 : f32
        %mul3A_332 = vector.broadcast %mul3A_331 : f32 to vector<16xf32>
        %mul3A_333 = arith.mulf %mul3A_332, %add3A_330 : vector<16xf32>
        %max3A_334 = arith.maximumf %add3A_330, %mul3A_333 : vector<16xf32>
        %exp3A_335 = math.exp %max3A_334 : vector<16xf32>
        %add3A_336 = arith.addf %add3A_329, %exp3A_335 : vector<16xf32>
        %add3A_337 = arith.addf %gather3A_54, %gather3A_75 : vector<16xf32>
        %mul3A_338 = arith.constant 0.00999999977 : f32
        %mul3A_339 = vector.broadcast %mul3A_338 : f32 to vector<16xf32>
        %mul3A_340 = arith.mulf %mul3A_339, %add3A_337 : vector<16xf32>
        %max3A_341 = arith.maximumf %add3A_337, %mul3A_340 : vector<16xf32>
        %exp3A_342 = math.exp %max3A_341 : vector<16xf32>
        %add3A_343 = arith.addf %add3A_336, %exp3A_342 : vector<16xf32>
        %add3A_344 = arith.addf %gather3A_57, %gather3A_75 : vector<16xf32>
        %mul3A_345 = arith.constant 0.00999999977 : f32
        %mul3A_346 = vector.broadcast %mul3A_345 : f32 to vector<16xf32>
        %mul3A_347 = arith.mulf %mul3A_346, %add3A_344 : vector<16xf32>
        %max3A_348 = arith.maximumf %add3A_344, %mul3A_347 : vector<16xf32>
        %exp3A_349 = math.exp %max3A_348 : vector<16xf32>
        %add3A_350 = arith.addf %add3A_343, %exp3A_349 : vector<16xf32>
        %add3A_351 = arith.addf %gather3A_60, %gather3A_75 : vector<16xf32>
        %mul3A_352 = arith.constant 0.00999999977 : f32
        %mul3A_353 = vector.broadcast %mul3A_352 : f32 to vector<16xf32>
        %mul3A_354 = arith.mulf %mul3A_353, %add3A_351 : vector<16xf32>
        %max3A_355 = arith.maximumf %add3A_351, %mul3A_354 : vector<16xf32>
        %exp3A_356 = math.exp %max3A_355 : vector<16xf32>
        %add3A_357 = arith.addf %add3A_350, %exp3A_356 : vector<16xf32>
        %add3A_358 = arith.addf %gather3A, %gather3A_78 : vector<16xf32>
        %mul3A_359 = arith.constant 0.00999999977 : f32
        %mul3A_360 = vector.broadcast %mul3A_359 : f32 to vector<16xf32>
        %mul3A_361 = arith.mulf %mul3A_360, %add3A_358 : vector<16xf32>
        %max3A_362 = arith.maximumf %add3A_358, %mul3A_361 : vector<16xf32>
        %exp3A_363 = math.exp %max3A_362 : vector<16xf32>
        %add3A_364 = arith.addf %gather3A_42, %gather3A_78 : vector<16xf32>
        %mul3A_365 = arith.constant 0.00999999977 : f32
        %mul3A_366 = vector.broadcast %mul3A_365 : f32 to vector<16xf32>
        %mul3A_367 = arith.mulf %mul3A_366, %add3A_364 : vector<16xf32>
        %max3A_368 = arith.maximumf %add3A_364, %mul3A_367 : vector<16xf32>
        %exp3A_369 = math.exp %max3A_368 : vector<16xf32>
        %add3A_370 = arith.addf %exp3A_363, %exp3A_369 : vector<16xf32>
        %add3A_371 = arith.addf %gather3A_45, %gather3A_78 : vector<16xf32>
        %mul3A_372 = arith.constant 0.00999999977 : f32
        %mul3A_373 = vector.broadcast %mul3A_372 : f32 to vector<16xf32>
        %mul3A_374 = arith.mulf %mul3A_373, %add3A_371 : vector<16xf32>
        %max3A_375 = arith.maximumf %add3A_371, %mul3A_374 : vector<16xf32>
        %exp3A_376 = math.exp %max3A_375 : vector<16xf32>
        %add3A_377 = arith.addf %add3A_370, %exp3A_376 : vector<16xf32>
        %add3A_378 = arith.addf %gather3A_48, %gather3A_78 : vector<16xf32>
        %mul3A_379 = arith.constant 0.00999999977 : f32
        %mul3A_380 = vector.broadcast %mul3A_379 : f32 to vector<16xf32>
        %mul3A_381 = arith.mulf %mul3A_380, %add3A_378 : vector<16xf32>
        %max3A_382 = arith.maximumf %add3A_378, %mul3A_381 : vector<16xf32>
        %exp3A_383 = math.exp %max3A_382 : vector<16xf32>
        %add3A_384 = arith.addf %add3A_377, %exp3A_383 : vector<16xf32>
        %add3A_385 = arith.addf %gather3A_51, %gather3A_78 : vector<16xf32>
        %mul3A_386 = arith.constant 0.00999999977 : f32
        %mul3A_387 = vector.broadcast %mul3A_386 : f32 to vector<16xf32>
        %mul3A_388 = arith.mulf %mul3A_387, %add3A_385 : vector<16xf32>
        %max3A_389 = arith.maximumf %add3A_385, %mul3A_388 : vector<16xf32>
        %exp3A_390 = math.exp %max3A_389 : vector<16xf32>
        %add3A_391 = arith.addf %add3A_384, %exp3A_390 : vector<16xf32>
        %add3A_392 = arith.addf %gather3A_54, %gather3A_78 : vector<16xf32>
        %mul3A_393 = arith.constant 0.00999999977 : f32
        %mul3A_394 = vector.broadcast %mul3A_393 : f32 to vector<16xf32>
        %mul3A_395 = arith.mulf %mul3A_394, %add3A_392 : vector<16xf32>
        %max3A_396 = arith.maximumf %add3A_392, %mul3A_395 : vector<16xf32>
        %exp3A_397 = math.exp %max3A_396 : vector<16xf32>
        %add3A_398 = arith.addf %add3A_391, %exp3A_397 : vector<16xf32>
        %add3A_399 = arith.addf %gather3A_57, %gather3A_78 : vector<16xf32>
        %mul3A_400 = arith.constant 0.00999999977 : f32
        %mul3A_401 = vector.broadcast %mul3A_400 : f32 to vector<16xf32>
        %mul3A_402 = arith.mulf %mul3A_401, %add3A_399 : vector<16xf32>
        %max3A_403 = arith.maximumf %add3A_399, %mul3A_402 : vector<16xf32>
        %exp3A_404 = math.exp %max3A_403 : vector<16xf32>
        %add3A_405 = arith.addf %add3A_398, %exp3A_404 : vector<16xf32>
        %add3A_406 = arith.addf %gather3A_60, %gather3A_78 : vector<16xf32>
        %mul3A_407 = arith.constant 0.00999999977 : f32
        %mul3A_408 = vector.broadcast %mul3A_407 : f32 to vector<16xf32>
        %mul3A_409 = arith.mulf %mul3A_408, %add3A_406 : vector<16xf32>
        %max3A_410 = arith.maximumf %add3A_406, %mul3A_409 : vector<16xf32>
        %exp3A_411 = math.exp %max3A_410 : vector<16xf32>
        %add3A_412 = arith.addf %add3A_405, %exp3A_411 : vector<16xf32>
        %add3A_413 = arith.addf %gather3A, %gather3A_81 : vector<16xf32>
        %mul3A_414 = arith.constant 0.00999999977 : f32
        %mul3A_415 = vector.broadcast %mul3A_414 : f32 to vector<16xf32>
        %mul3A_416 = arith.mulf %mul3A_415, %add3A_413 : vector<16xf32>
        %max3A_417 = arith.maximumf %add3A_413, %mul3A_416 : vector<16xf32>
        %exp3A_418 = math.exp %max3A_417 : vector<16xf32>
        %add3A_419 = arith.addf %gather3A_42, %gather3A_81 : vector<16xf32>
        %mul3A_420 = arith.constant 0.00999999977 : f32
        %mul3A_421 = vector.broadcast %mul3A_420 : f32 to vector<16xf32>
        %mul3A_422 = arith.mulf %mul3A_421, %add3A_419 : vector<16xf32>
        %max3A_423 = arith.maximumf %add3A_419, %mul3A_422 : vector<16xf32>
        %exp3A_424 = math.exp %max3A_423 : vector<16xf32>
        %add3A_425 = arith.addf %exp3A_418, %exp3A_424 : vector<16xf32>
        %add3A_426 = arith.addf %gather3A_45, %gather3A_81 : vector<16xf32>
        %mul3A_427 = arith.constant 0.00999999977 : f32
        %mul3A_428 = vector.broadcast %mul3A_427 : f32 to vector<16xf32>
        %mul3A_429 = arith.mulf %mul3A_428, %add3A_426 : vector<16xf32>
        %max3A_430 = arith.maximumf %add3A_426, %mul3A_429 : vector<16xf32>
        %exp3A_431 = math.exp %max3A_430 : vector<16xf32>
        %add3A_432 = arith.addf %add3A_425, %exp3A_431 : vector<16xf32>
        %add3A_433 = arith.addf %gather3A_48, %gather3A_81 : vector<16xf32>
        %mul3A_434 = arith.constant 0.00999999977 : f32
        %mul3A_435 = vector.broadcast %mul3A_434 : f32 to vector<16xf32>
        %mul3A_436 = arith.mulf %mul3A_435, %add3A_433 : vector<16xf32>
        %max3A_437 = arith.maximumf %add3A_433, %mul3A_436 : vector<16xf32>
        %exp3A_438 = math.exp %max3A_437 : vector<16xf32>
        %add3A_439 = arith.addf %add3A_432, %exp3A_438 : vector<16xf32>
        %add3A_440 = arith.addf %gather3A_51, %gather3A_81 : vector<16xf32>
        %mul3A_441 = arith.constant 0.00999999977 : f32
        %mul3A_442 = vector.broadcast %mul3A_441 : f32 to vector<16xf32>
        %mul3A_443 = arith.mulf %mul3A_442, %add3A_440 : vector<16xf32>
        %max3A_444 = arith.maximumf %add3A_440, %mul3A_443 : vector<16xf32>
        %exp3A_445 = math.exp %max3A_444 : vector<16xf32>
        %add3A_446 = arith.addf %add3A_439, %exp3A_445 : vector<16xf32>
        %add3A_447 = arith.addf %gather3A_54, %gather3A_81 : vector<16xf32>
        %mul3A_448 = arith.constant 0.00999999977 : f32
        %mul3A_449 = vector.broadcast %mul3A_448 : f32 to vector<16xf32>
        %mul3A_450 = arith.mulf %mul3A_449, %add3A_447 : vector<16xf32>
        %max3A_451 = arith.maximumf %add3A_447, %mul3A_450 : vector<16xf32>
        %exp3A_452 = math.exp %max3A_451 : vector<16xf32>
        %add3A_453 = arith.addf %add3A_446, %exp3A_452 : vector<16xf32>
        %add3A_454 = arith.addf %gather3A_57, %gather3A_81 : vector<16xf32>
        %mul3A_455 = arith.constant 0.00999999977 : f32
        %mul3A_456 = vector.broadcast %mul3A_455 : f32 to vector<16xf32>
        %mul3A_457 = arith.mulf %mul3A_456, %add3A_454 : vector<16xf32>
        %max3A_458 = arith.maximumf %add3A_454, %mul3A_457 : vector<16xf32>
        %exp3A_459 = math.exp %max3A_458 : vector<16xf32>
        %add3A_460 = arith.addf %add3A_453, %exp3A_459 : vector<16xf32>
        %add3A_461 = arith.addf %gather3A_60, %gather3A_81 : vector<16xf32>
        %mul3A_462 = arith.constant 0.00999999977 : f32
        %mul3A_463 = vector.broadcast %mul3A_462 : f32 to vector<16xf32>
        %mul3A_464 = arith.mulf %mul3A_463, %add3A_461 : vector<16xf32>
        %max3A_465 = arith.maximumf %add3A_461, %mul3A_464 : vector<16xf32>
        %exp3A_466 = math.exp %max3A_465 : vector<16xf32>
        %add3A_467 = arith.addf %add3A_460, %exp3A_466 : vector<16xf32>
        %add3A_468 = arith.addf %gather3A, %gather3A_84 : vector<16xf32>
        %mul3A_469 = arith.constant 0.00999999977 : f32
        %mul3A_470 = vector.broadcast %mul3A_469 : f32 to vector<16xf32>
        %mul3A_471 = arith.mulf %mul3A_470, %add3A_468 : vector<16xf32>
        %max3A_472 = arith.maximumf %add3A_468, %mul3A_471 : vector<16xf32>
        %exp3A_473 = math.exp %max3A_472 : vector<16xf32>
        %add3A_474 = arith.addf %gather3A_42, %gather3A_84 : vector<16xf32>
        %mul3A_475 = arith.constant 0.00999999977 : f32
        %mul3A_476 = vector.broadcast %mul3A_475 : f32 to vector<16xf32>
        %mul3A_477 = arith.mulf %mul3A_476, %add3A_474 : vector<16xf32>
        %max3A_478 = arith.maximumf %add3A_474, %mul3A_477 : vector<16xf32>
        %exp3A_479 = math.exp %max3A_478 : vector<16xf32>
        %add3A_480 = arith.addf %exp3A_473, %exp3A_479 : vector<16xf32>
        %add3A_481 = arith.addf %gather3A_45, %gather3A_84 : vector<16xf32>
        %mul3A_482 = arith.constant 0.00999999977 : f32
        %mul3A_483 = vector.broadcast %mul3A_482 : f32 to vector<16xf32>
        %mul3A_484 = arith.mulf %mul3A_483, %add3A_481 : vector<16xf32>
        %max3A_485 = arith.maximumf %add3A_481, %mul3A_484 : vector<16xf32>
        %exp3A_486 = math.exp %max3A_485 : vector<16xf32>
        %add3A_487 = arith.addf %add3A_480, %exp3A_486 : vector<16xf32>
        %add3A_488 = arith.addf %gather3A_48, %gather3A_84 : vector<16xf32>
        %mul3A_489 = arith.constant 0.00999999977 : f32
        %mul3A_490 = vector.broadcast %mul3A_489 : f32 to vector<16xf32>
        %mul3A_491 = arith.mulf %mul3A_490, %add3A_488 : vector<16xf32>
        %max3A_492 = arith.maximumf %add3A_488, %mul3A_491 : vector<16xf32>
        %exp3A_493 = math.exp %max3A_492 : vector<16xf32>
        %add3A_494 = arith.addf %add3A_487, %exp3A_493 : vector<16xf32>
        %add3A_495 = arith.addf %gather3A_51, %gather3A_84 : vector<16xf32>
        %mul3A_496 = arith.constant 0.00999999977 : f32
        %mul3A_497 = vector.broadcast %mul3A_496 : f32 to vector<16xf32>
        %mul3A_498 = arith.mulf %mul3A_497, %add3A_495 : vector<16xf32>
        %max3A_499 = arith.maximumf %add3A_495, %mul3A_498 : vector<16xf32>
        %exp3A_500 = math.exp %max3A_499 : vector<16xf32>
        %add3A_501 = arith.addf %add3A_494, %exp3A_500 : vector<16xf32>
        %add3A_502 = arith.addf %gather3A_54, %gather3A_84 : vector<16xf32>
        %mul3A_503 = arith.constant 0.00999999977 : f32
        %mul3A_504 = vector.broadcast %mul3A_503 : f32 to vector<16xf32>
        %mul3A_505 = arith.mulf %mul3A_504, %add3A_502 : vector<16xf32>
        %max3A_506 = arith.maximumf %add3A_502, %mul3A_505 : vector<16xf32>
        %exp3A_507 = math.exp %max3A_506 : vector<16xf32>
        %add3A_508 = arith.addf %add3A_501, %exp3A_507 : vector<16xf32>
        %add3A_509 = arith.addf %gather3A_57, %gather3A_84 : vector<16xf32>
        %mul3A_510 = arith.constant 0.00999999977 : f32
        %mul3A_511 = vector.broadcast %mul3A_510 : f32 to vector<16xf32>
        %mul3A_512 = arith.mulf %mul3A_511, %add3A_509 : vector<16xf32>
        %max3A_513 = arith.maximumf %add3A_509, %mul3A_512 : vector<16xf32>
        %exp3A_514 = math.exp %max3A_513 : vector<16xf32>
        %add3A_515 = arith.addf %add3A_508, %exp3A_514 : vector<16xf32>
        %add3A_516 = arith.addf %gather3A_60, %gather3A_84 : vector<16xf32>
        %mul3A_517 = arith.constant 0.00999999977 : f32
        %mul3A_518 = vector.broadcast %mul3A_517 : f32 to vector<16xf32>
        %mul3A_519 = arith.mulf %mul3A_518, %add3A_516 : vector<16xf32>
        %max3A_520 = arith.maximumf %add3A_516, %mul3A_519 : vector<16xf32>
        %exp3A_521 = math.exp %max3A_520 : vector<16xf32>
        %add3A_522 = arith.addf %add3A_515, %exp3A_521 : vector<16xf32>
        %add3A_523 = arith.addf %add3A_137, %add3A_192 : vector<16xf32>
        %add3A_524 = arith.addf %add3A_523, %add3A_247 : vector<16xf32>
        %add3A_525 = arith.addf %add3A_524, %add3A_302 : vector<16xf32>
        %add3A_526 = arith.addf %add3A_525, %add3A_357 : vector<16xf32>
        %add3A_527 = arith.addf %add3A_526, %add3A_412 : vector<16xf32>
        %add3A_528 = arith.addf %add3A_527, %add3A_467 : vector<16xf32>
        %add3A_529 = arith.addf %add3A_528, %add3A_522 : vector<16xf32>
        %div3A = arith.constant 1.000000e+00 : f32
        %div3A_530 = vector.broadcast %div3A : f32 to vector<16xf32>
        %div3A_531 = arith.divf %div3A_530, %add3A_529 : vector<16xf32>
        %broadcast_in_dim3A_532 = arith.constant 0 : i32
        %broadcast_in_dim3A_533 = vector.broadcast %broadcast_in_dim3A_532 : i32 to vector<16xi32>
        %mul3A_534 = arith.mulf %add3A_137, %div3A_531 : vector<16xf32>
        tpu.vector_store_idx %arg10[%add3A_38, %broadcast_in_dim3A_533], %mul3A_534 : memref<2000x8xf32, #tpu.memory_space<vmem>>[vector<16xi32>, vector<16xi32>], vector<16xf32>,
        %broadcast_in_dim3A_535 = arith.constant 1 : i32
        %broadcast_in_dim3A_536 = vector.broadcast %broadcast_in_dim3A_535 : i32 to vector<16xi32>
        %mul3A_537 = arith.mulf %add3A_192, %div3A_531 : vector<16xf32>
        tpu.vector_store_idx %arg10[%add3A_38, %broadcast_in_dim3A_536], %mul3A_537 : memref<2000x8xf32, #tpu.memory_space<vmem>>[vector<16xi32>, vector<16xi32>], vector<16xf32>,
        %broadcast_in_dim3A_538 = arith.constant 2 : i32
        %broadcast_in_dim3A_539 = vector.broadcast %broadcast_in_dim3A_538 : i32 to vector<16xi32>
        %mul3A_540 = arith.mulf %add3A_247, %div3A_531 : vector<16xf32>
        tpu.vector_store_idx %arg10[%add3A_38, %broadcast_in_dim3A_539], %mul3A_540 : memref<2000x8xf32, #tpu.memory_space<vmem>>[vector<16xi32>, vector<16xi32>], vector<16xf32>,
        %broadcast_in_dim3A_541 = arith.constant 3 : i32
        %broadcast_in_dim3A_542 = vector.broadcast %broadcast_in_dim3A_541 : i32 to vector<16xi32>
        %mul3A_543 = arith.mulf %add3A_302, %div3A_531 : vector<16xf32>
        tpu.vector_store_idx %arg10[%add3A_38, %broadcast_in_dim3A_542], %mul3A_543 : memref<2000x8xf32, #tpu.memory_space<vmem>>[vector<16xi32>, vector<16xi32>], vector<16xf32>,
        %broadcast_in_dim3A_544 = arith.constant 4 : i32
        %broadcast_in_dim3A_545 = vector.broadcast %broadcast_in_dim3A_544 : i32 to vector<16xi32>
        %mul3A_546 = arith.mulf %add3A_357, %div3A_531 : vector<16xf32>
        tpu.vector_store_idx %arg10[%add3A_38, %broadcast_in_dim3A_545], %mul3A_546 : memref<2000x8xf32, #tpu.memory_space<vmem>>[vector<16xi32>, vector<16xi32>], vector<16xf32>,
        %broadcast_in_dim3A_547 = arith.constant 5 : i32
        %broadcast_in_dim3A_548 = vector.broadcast %broadcast_in_dim3A_547 : i32 to vector<16xi32>
        %mul3A_549 = arith.mulf %add3A_412, %div3A_531 : vector<16xf32>
        tpu.vector_store_idx %arg10[%add3A_38, %broadcast_in_dim3A_548], %mul3A_549 : memref<2000x8xf32, #tpu.memory_space<vmem>>[vector<16xi32>, vector<16xi32>], vector<16xf32>,
        %broadcast_in_dim3A_550 = arith.constant 6 : i32
        %broadcast_in_dim3A_551 = vector.broadcast %broadcast_in_dim3A_550 : i32 to vector<16xi32>
        %mul3A_552 = arith.mulf %add3A_467, %div3A_531 : vector<16xf32>
        tpu.vector_store_idx %arg10[%add3A_38, %broadcast_in_dim3A_551], %mul3A_552 : memref<2000x8xf32, #tpu.memory_space<vmem>>[vector<16xi32>, vector<16xi32>], vector<16xf32>,
        %broadcast_in_dim3A_553 = arith.constant 7 : i32
        %broadcast_in_dim3A_554 = vector.broadcast %broadcast_in_dim3A_553 : i32 to vector<16xi32>
        %mul3A_555 = arith.mulf %add3A_522, %div3A_531 : vector<16xf32>
        tpu.vector_store_idx %arg10[%add3A_38, %broadcast_in_dim3A_554], %mul3A_555 : memref<2000x8xf32, #tpu.memory_space<vmem>>[vector<16xi32>, vector<16xi32>], vector<16xf32>,
      }
      %scan3A_29 = arith.constant 125 : i32
      "tpu.region"() ({
        %run_scoped3A = tpu.sem_alloc : memref<!tpu.dma_semaphore, #tpu.memory_space<semaphore_mem>>
        %dma_start3A_30 = arith.constant 0 : i32
        %dma_start3A_31 = tpu.memref_slice %arg5[%add3A_14, %dma_start3A_30] : memref<320000x8xf32, #tpu.memory_space<hbm>> -> memref<2000x8xf32, #tpu.memory_space<hbm>>
        %dma_start3A_32 = arith.constant 0 : i32
        %dma_start3A_33 = tpu.memref_slice %arg5[%add3A_14, %dma_start3A_32] : memref<320000x8xf32, #tpu.memory_space<hbm>> -> memref<2000x8xf32, #tpu.memory_space<hbm>>
        tpu.enqueue_dma source(%arg10 : memref<2000x8xf32, #tpu.memory_space<vmem>>) target(%dma_start3A_33 : memref<2000x8xf32, #tpu.memory_space<hbm>>) target_semaphore(%run_scoped3A : memref<!tpu.dma_semaphore, #tpu.memory_space<semaphore_mem>>)
        %dma_wait3A_34 = arith.constant 0 : i32
        %dma_wait3A_35 = tpu.memref_slice %arg5[%add3A_14, %dma_wait3A_34] : memref<320000x8xf32, #tpu.memory_space<hbm>> -> memref<2000x8xf32, #tpu.memory_space<hbm>>
        %dma_wait3A_36 = arith.constant 0 : i32
        %dma_wait3A_37 = tpu.memref_slice %arg5[%add3A_14, %dma_wait3A_36] : memref<320000x8xf32, #tpu.memory_space<hbm>> -> memref<2000x8xf32, #tpu.memory_space<hbm>>
        tpu.wait_dma2 semaphore(%run_scoped3A : memref<!tpu.dma_semaphore, #tpu.memory_space<semaphore_mem>>) src(%arg10 : memref<2000x8xf32, #tpu.memory_space<vmem>>) dst(%dma_wait3A_37 : memref<2000x8xf32, #tpu.memory_space<hbm>>)
        tpu.yield
      }) : () -> ()
    }
    %scan3A_6 = arith.constant 5 : i32
    return
  }
}

module attributes {stable_mosaic.version = 14 : i64} {
  func.func @_tc_table_body(%arg0: memref<10000x128xf32, #tpu.memory_space<vmem>>, %arg1: memref<128x16xf32, #tpu.memory_space<vmem>>, %arg2: memref<10000x16xf32, #tpu.memory_space<vmem>>) attributes {dimension_semantics = [], scalar_prefetch = 0 : i64, scratch_operands = 0 : i64, tpu.core_type = #tpu.core_type<tc>} {
    %get3A = arith.constant 0 : index
    %get3A_0 = arith.constant 0 : index
    %get3A_1 = vector.load %arg0[%get3A, %get3A_0] : memref<10000x128xf32, #tpu.memory_space<vmem>>, vector<10000x128xf32>
    %get3A_2 = arith.constant 0 : index
    %get3A_3 = arith.constant 0 : index
    %get3A_4 = vector.load %arg1[%get3A_2, %get3A_3] : memref<128x16xf32, #tpu.memory_space<vmem>>, vector<128x16xf32>
    %dot_general3A = arith.constant dense<0.000000e+00> : vector<10000x16xf32>
    %dot_general3A_5 = tpu.matmul %get3A_1, %get3A_4, %dot_general3A {dimension_numbers = #tpu.dot_dimension_numbers<[1], [0], [0], [1], [0, 0, 1, 1], [], []>, transpose_lhs_hint = false} : vector<10000x128xf32>, vector<128x16xf32>, vector<10000x16xf32> -> vector<10000x16xf32>
    %swap3A = arith.constant 0 : index
    %swap3A_6 = arith.constant 0 : index
    %swap3A_7 = vector.load %arg2[%swap3A, %swap3A_6] : memref<10000x16xf32, #tpu.memory_space<vmem>>, vector<10000x16xf32>
    tpu.vector_store %arg2[%swap3A, %swap3A_6], %dot_general3A_5 {strides = array<i32>} : memref<10000x16xf32, #tpu.memory_space<vmem>>, vector<10000x16xf32>,
    return
  }
}

</mosaic_0001>

<sc_bundles>
// kernel: kernel.4.cloned.1.call-start
scs
__scs_entry_jumppad:
0x0: {  	(pc) =	sbr.rel $0x88, $3  }
0x1: {  	(tag) =	ssettag $0x0;
	lr =	simm.s32 $0x1  }
0x2: {  	[smem:$0x3F9D] =	sst lr;
	_ =	strace $0xD0000000  }
0x3: {  	_ = 	snop  }
0x4: {  	_ = 	snop  }
0x5: {  	_ = 	snop  }
0x6: {  	_ = 	snop  }
0x7: {  	_ = 	snop  }
__scs_overlays_trampoline_lowered:
0x8: {  	[smem:$0x3FAC] =	sst s0  }
0x9: {  	[smem:$0x3FAD] =	sst s1  }
0xa: {  	[smem:$0x3FAE] =	sst s2  }
0xb: {  	[smem:$0x3FAF] =	sst s3  }
0xc: {  	[smem:$0x3FB0] =	sst s4  }
0xd: {  	[smem:$0x3FB1] =	sst s5  }
0xe: {  	[smem:$0x3FB2] =	sst s6  }
0xf: {  	[smem:$0x3FB3] =	sst s7  }
0x10: {  	[smem:$0x3FB4] =	sst s8  }
0x11: {  	[smem:$0x3FB5] =	sst s9;
	s0 =	simm.s32 @!p0 $0x0  }
0x12: {  	s1 =	sld [smem:$0x3F9B];
	s0 =	simm.s32 @p0 $0x1  }
0x13: {  	[smem:$0x3FB6] =	sst s0;
	s0 =	simm.s32 @!p1 $0x0  }
0x14: {  	s2 =	sld [smem:$0x3F9A];
	s0 =	simm.s32 @p1 $0x1  }
0x15: {  	[smem:$0x3FB7] =	sst s0;
	s0 =	simm.s32 @!p2 $0x0  }
0x16: {  	s3 =	sld [smem:$0x3FDB];
	s0 =	simm.s32 @p2 $0x1  }
0x17: {  	s4 =	simm.s32 $0x1BF5;
	[smem:$0x3FB9] =	sst s0  }
0x18: {  	s0 =	sld [smem:$0x3F9C];
	_ =	swait.ge [sflag:s4], $0x0  }
0x19: {  	s7 =	sld [smem:$0x3F9D]  }
0x1a: {  	s8 =	sadd.s32 $0xFFFFE003, lr  }
0x1b: {  	s9 =	sadd.s32 $0xFFFFFEF7, lr;
	s5 =	simm.s32 $0xFFFFFFFF;
	p2 =	slt.u32 s8, $0xFFFFF086  }
0x1c: {  	p1 =	slt.u32 s9, $0xF7A;
	s5 =	simm.s32 @!p2 $0x0  }
0x1d: {  	s5 =	simm.s32 @p1 $0x1;
	p0 =	seq.s32 s7, s2  }
0x1e: {  	s7 =	smul.u32 @!p0 $0xF7A, s2;
	p2 =	seq.s32 @!p0 s5, $0x0  }
0x1f: {  	s9 =	smul.u32 $0xF7A, s1;
	s8 =	simm.s32 @!p0 $0x1BF5;
	p2 =	por !p2, p0  }
0x20: {  	[sflag:s8] =	ssyncset.s32 @!p0 $0xFFFFF086;
	s6 =	sadd.s32 @!p0 s3, s7;
	s7 =	simm.s32 @!p0 $0x108  }
0x21: {  	s3 =	sadd.s32 s3, s9;
	s6 =	sadd.s32 @!p0 $0x88, s6;
	s7 =	simm.s32 @p2 $0x1082  }
0x22: {  	[simem:s7], [sflag:s8] =	dma.local @!p0 [hbm:s6], $0xF7A  }
0x23: {  	s9 =	sor.u32 $0xD0000000, s2;
	s6 =	simm.s32 $0x108;
	_ =	swait.ge @!p0 [sflag:s8], $0x0  }
0x24: {  	s3 =	sadd.s32 $0x88, s3;
	s6 =	simm.s32 @!p1 $0x1082;
	[sflag:s4] =	ssyncset.s32 $0xFFFFF086  }
0x25: {  	[simem:s6], [sflag:s4] =	dma.local [hbm:s3], $0xF7A  }
0x26: {  	[smem:$0x3F9D] =	sst s1;
	(tag) =	ssettag s2;
	_ =	strace s9  }
0x27: {  	s1 =	sld [smem:$0x3FAD]  }
0x28: {  	s2 =	sld [smem:$0x3FAE]  }
0x29: {  	s4 =	sld [smem:$0x3FB0]  }
0x2a: {  	p0 =	seq.s32 s5, $0x0;
	s5 =	sld [smem:$0x3FB1]  }
0x2b: {  	s6 =	sld [smem:$0x3FB2]  }
0x2c: {  	s7 =	sld [smem:$0x3FB3]  }
0x2d: {  	s3 =	simm.s32 $0x108;
	s8 =	sld [smem:$0x3FB4]  }
0x2e: {  	s3 =	simm.s32 @!p0 $0x1082;
	s9 =	sld [smem:$0x3FB5]  }
0x2f: {  	lr =	sadd.s32 s0, s3;
	s0 =	sld [smem:$0x3FAC]  }
0x30: {  	s3 =	sld [smem:$0x3FAF]  }
0x31: {  	[smem:$0x3FB8] =	sst s10  }
0x32: {  	s10 =	sld [smem:$0x3FB6];
	_ =	sdelay $0x3  }
0x33: {  	p0 =	seq.s32 s10, $0x1;
	s10 =	sld [smem:$0x3FB8];
	_ =	sdelay $0x3  }
0x34: {  	[smem:$0x3FB8] =	sst s10  }
0x35: {  	s10 =	sld [smem:$0x3FB7];
	_ =	sdelay $0x3  }
0x36: {  	p1 =	seq.s32 s10, $0x1;
	s10 =	sld [smem:$0x3FB8];
	_ =	sdelay $0x3  }
0x37: {  	[smem:$0x3FB8] =	sst s10  }
0x38: {  	s10 =	sld [smem:$0x3FB9]  }
0x39: {  	_ = 	snop;
	(pc) =	sbr.ind lr, $3  }
0x3a: {  	_ = 	snop  }
0x3b: {  	_ = 	snop  }
0x3c: {  	p2 =	seq.s32 s10, $0x1;
	s10 =	sld [smem:$0x3FB8]  }
0x3d: {  	_ =	shalt  }
0x3e: {  	_ =	shalt  }
0x3f: {  	_ =	shalt  }
0x40: {  	_ =	shalt  }
0x41: {  	_ =	shalt  }
0x42: {  	_ =	shalt  }
0x43: {  	_ =	shalt  }
0x44: {  	_ =	shalt  }
0x45: {  	_ =	shalt  }
0x46: {  	_ =	shalt  }
0x47: {  	_ =	shalt  }
0x48: {  	_ =	shalt  }
0x49: {  	_ =	shalt  }
0x4a: {  	_ =	shalt  }
0x4b: {  	_ =	shalt  }
0x4c: {  	_ =	shalt  }
0x4d: {  	_ =	shalt  }
0x4e: {  	_ =	shalt  }
0x4f: {  	_ =	shalt  }
0x50: {  	_ =	shalt  }
0x51: {  	_ =	shalt  }
0x52: {  	_ =	shalt  }
0x53: {  	_ =	shalt  }
0x54: {  	_ =	shalt  }
0x55: {  	_ =	shalt  }
0x56: {  	_ =	shalt  }
0x57: {  	_ =	shalt  }
0x58: {  	_ =	shalt  }
0x59: {  	_ =	shalt  }
0x5a: {  	_ =	shalt  }
0x5b: {  	_ =	shalt  }
0x5c: {  	_ =	shalt  }
0x5d: {  	_ =	shalt  }
0x5e: {  	_ =	shalt  }
0x5f: {  	_ =	shalt  }
0x60: {  	_ =	shalt  }
0x61: {  	_ =	shalt  }
0x62: {  	_ =	shalt  }
0x63: {  	_ =	shalt  }
0x64: {  	_ =	shalt  }
0x65: {  	_ =	shalt  }
0x66: {  	_ =	shalt  }
0x67: {  	_ =	shalt  }
0x68: {  	_ =	shalt  }
0x69: {  	_ =	shalt  }
0x6a: {  	_ =	shalt  }
0x6b: {  	_ =	shalt  }
0x6c: {  	_ =	shalt  }
0x6d: {  	_ =	shalt  }
0x6e: {  	_ =	shalt  }
0x6f: {  	_ =	shalt  }
0x70: {  	_ =	shalt  }
0x71: {  	_ =	shalt  }
0x72: {  	_ =	shalt  }
0x73: {  	_ =	shalt  }
0x74: {  	_ =	shalt  }
0x75: {  	_ =	shalt  }
0x76: {  	_ =	shalt  }
0x77: {  	_ =	shalt  }
0x78: {  	_ =	shalt  }
0x79: {  	_ =	shalt  }
0x7a: {  	_ =	shalt  }
0x7b: {  	_ =	shalt  }
0x7c: {  	_ =	shalt  }
0x7d: {  	_ =	shalt  }
0x7e: {  	_ =	shalt  }
0x7f: {  	_ =	shalt  }
0x80: {  	_ =	shalt  }
0x81: {  	_ =	shalt  }
0x82: {  	_ =	shalt  }
0x83: {  	_ =	shalt  }
0x84: {  	_ =	shalt  }
0x85: {  	_ =	shalt  }
0x86: {  	_ =	shalt  }
0x87: {  	_ =	shalt  }
.Lfunc_end0:
.L_simem_size_0:
called_computation_lowered:
.L_overlay_start_0:
0x88: {  	s2 =	sld [smem:$0x3FD9]  }
0x89: {  	s3 =	sld [smem:$0x3FFE];
	_ =	sdelay $0x1  }
0x8a: {  	s1 =	srdreg.scid  }
0x8b: {  	s0 =	sand.u32 $0x1, s1  }
0x8c: {  	s17 =	sshll.u32 s0, $0xA;
	s2 =	sadd.s32 s3, s2  }
0x8d: {  	s2 =	sadd.s32 s2, s17  }
0x8e: {  	[smem:$0x3FC4] =	sst s2  }
0x8f: {  	_ = 	snop  }
0x90: {  	s2 =	sld [smem:$0x3FD0];
	(tm) =	ssettm $0x1  }
0x91: {  	s18 =	sld [smem:$0x3FFB];
	_ =	sdelay $0x3  }
0x92: {  	_ =	strace s18  }
0x93: {  	s3 =	sld [smem:$0x3FFC];
	_ =	sdelay $0x3  }
0x94: {  	_ =	strace s3  }
0x95: {  	s3 =	sld [smem:$0x3FFD];
	_ =	sdelay $0x3  }
0x96: {  	_ =	strace s3  }
0x97: {  	_ =	strace $0x8FFFFFFF  }
0x98: {  	s19 =	sld [smem:$0x3FDB];
	_ =	sdelay $0x1  }
0x99: {  	s4 =	simm.s32 $_scs_section_size  }
0x9a: {  	s5 =	simm.s32 $_size__tile_overlayer_lowered;
	s6 =	simm.s32 $_tile_overlayer_lowered  }
0x9b: {  	s22 =	simm.s32 $0x1BFF;
	s21 =	sshll.u32 s6, $0x1;
	s3 =	sadd.s32 s4, s19  }
0x9c: {  	s7 =	simm.s32 $0x0;
	s20 =	sshll.u32 s5, $0x1;
	s5 =	sadd.s32 s21, s3  }
0x9d: {  	[timem:s7], [sflag:s22] =	dma.local [hbm:s5], s20  }
0x9e: {  	_ =	swait.ge [sflag:s22], s20  }
0x9f: {  	s4 =	ssub.s32 $0x0, s20;
	[sflag:s22] =	ssyncset.done $0x0  }
0xa0: {  	[sflag:s22] =	ssyncadd.s32 s4;
	_ =	sdelay $0x1  }
0xa1: {  	s23 =	simm.s32 $0x1B8B  }
0xa2: {  	_ =	swait.ge [sflag:s23], $0x1  }
0xa3: {  	[sflag:s23] =	ssyncset.done $0x0  }
0xa4: {  	s25 =	simm.s32 $0x1B8E;
	s24 =	sld [smem:$0x3FFE];
	[sflag:s23] =	ssyncadd.s32 $0xFFFFFFFF  }
0xa5: {  	s26 =	simm.s32 $execute0_lowered;
	[smem:$0x3FD2] =	sst s25  }
0xa6: {  	s5 =	sshll.u32 s26, $0x1;
	_ =	strace $0x80000046;
	[dreg:$0x1] =	wrdreg $0xFFFFFFFF  }
0xa7: {  	s28 =	simm.s32 $_size_execute0_lowered;
	s3 =	sadd.s32 s3, s5;
	[dreg:$0x0] =	wrdreg $0x0  }
0xa8: {  	s5 =	sshll.u32 s28, $0x1;
	[dreg:$0x2] =	wrdreg s3  }
0xa9: {  	[dreg:$0x3] =	wrdreg s5  }
0xaa: {  	[dreg:$0x4] =	wrdreg $0xC0  }
0xab: {  	_ =	task [dreg:s7], $0x5FFFF  }
0xac: {  	[dreg:$0x1] =	wrdreg $0xFFFFFFFF  }
0xad: {  	[dreg:$0x0] =	wrdreg $0x60  }
0xae: {  	[dreg:$0x2] =	wrdreg s24  }
0xaf: {  	[dreg:$0x3] =	wrdreg s2  }
0xb0: {  	[dreg:$0x4] =	wrdreg $0x9  }
0xb1: {  	_ =	task.clear_ibuf [dreg:s7], $0x5FFFF;
	_ =	strace $0x90000046  }
0xb2: {  	s29 =	simm.s32 $0x9;
	_ =	strace $0x80000048  }
0xb3: {  	_ =	swait.ge [sflag:s29], $0x1  }
0xb4: {  	[sflag:s29] =	ssyncadd.s32 $0xFFFFFFFF  }
0xb5: {  	_ =	strace $0x90000048  }
0xb6: {  	_ =	sfence  }
0xb7: {  	s30 =	sld [smem:$0x0];
	_ =	sdelay $0x2  }
0xb8: {  	s31 =	sshll.u32 s1, $0xD;
	s1 =	sshrl.u32 s1, $0x2  }
0xb9: {  	s3 =	sand.u32 $0x4000, s31;
	s1 =	sadd.s32 s1, s30  }
0xba: {  	s0 =	sor.u32 s3, s0;
	s1 =	sshll.u32 s1, $0x11  }
0xbb: {  	s0 =	sor.u32 s1, s0  }
0xbc: {  	s0 =	sadd.s32 $0x8F2B, s0  }
0xbd: {  	[sflag:s0] =	ssyncadd.remote.s32 $0x1  }
0xbe: {  	_ =	sfence.sel $0xFFFF  }
0xbf: {  	[dreg:$0x0] =	wrdreg $0xFFFFFFFF;
	(pc) =	sbr.abs _section_cstart, $3  }
0xc0: {  	[dreg:$0x1] =	wrdreg $0xFFFFFFFF  }
0xc1: {  	_ =	task.clear_ibuf [dreg:s7], $0x2FFFF;
	_ =	strace $0x9FFFFFFF  }
0xc2: {  	(tm) =	ssettm $0x7FFFFFFF  }
0xc3: {  	_ =	shalt  }
tec
execute0_lowered:
.L_overlay_start_1:
0x0: {  	(tag) =	ssettag $0x1  }
0x1: {  	s6 =	rddreg [dreg:$0x0]  }
0x2: {  	s1 =	rddreg [dreg:$0x1]  }
0x3: {  	s0 =	rddreg [dreg:$0x2]  }
0x4: {  	s2 =	simm.s32 $0x0;
	s3 =	srdreg.scid;
	s10 =	simm.s32 $0x7D0  }
0x5: {  	s11 =	simm.s32 $0xFA0;
	s12 =	simm.s32 $0x8CA0;
	s13 =	simm.s32 $0x1  }
0x6: {  	s14 =	simm.s32 $0x2;
	s15 =	simm.s32 $0x109A0;
	s16 =	simm.s32 $0x0  }
0x7: {  	[smem:$0x7FF] =	sst s2;
	s4 =	sadd.s32 $0x13E00, s6;
	s5 =	sand.u32 $0x1, s3  }
0x8: {  	s3 =	stileid.u32;
	_ =	strace $0x80000047;
	s7 =	ssub.s32 $0x2, s5  }
0x9: {  	s8 =	sshll.u32 s5, $0x4;
	s5 =	sadd.s32 $0xA000, s6;
	s9 =	sshrl.u32 s7, $0x1  }
0xa: {  	s6 =	sadd.s32 $0x200, s6;
	s8 =	sor.u32 s3, s8;
	s9 =	ssub.s32 s7, s9  }
0xb: {  	v0 =	vlaneseq.u32;
	s7 =	smul.u32 $0x2710, s8;
	s8 =	smax.u32 s9, $0x1;
	s9 =	simm.s32 $0x3  }
.LBB2_1:
0xc: {  	s17 =	simm.s32 $0x0  }
.LBB2_2:
0xd: {  	s18 =	smul.u32 $0x7D0, s17;
	_ =	sdelay $0x1  }
0xe: {  	s18 =	sadd.s32 s7, s18  }
0xf: {  	s20 =	sshrl.u32 s18, $0x3  }
0x10: {  	s19 =	simm.s32 $0x0;
	s21 =	sadd.s32 s5, s20  }
0x11: {  	[tilespmem:s19], [sflag:$0x3] =	stream.linear.gather [hbm4b:s21+s19], $0x7D0, $0x38;
	[tilespmem:$0x14820] =	vst v63  }
0x12: {  	_ =	swait.ge [sflag:s9], $0x7D0  }
0x13: {  	[sflag:s9] =	ssyncset.done $0x0  }
0x14: {  	s20 =	sadd.s32 s6, s20;
	[sflag:s9] =	ssyncadd.s32 $0xFFFFF830  }
0x15: {  	[tilespmem:s10], [sflag:$0x3] =	stream.linear.gather [hbm4b:s20+s19], $0x7D0, $0x38;
	[tilespmem:$0x14820] =	vst v63  }
0x16: {  	_ =	swait.ge [sflag:s9], $0x7D0  }
0x17: {  	[sflag:s9] =	ssyncset.done $0x0  }
0x18: {  	[sflag:s9] =	ssyncadd.s32 $0xFFFFF830  }
0x19: {  	[tilespmem:s11], [sflag:$0x1] =	stream.indirect.gather [hbm4b:s4+s10], $0x10, s19, s10, $0xb8;
	[tilespmem:$0x14820] =	vst v63  }
0x1a: {  	_ = 	snop  }
0x1b: {  	[tilespmem:s12], [sflag:$0x2] =	stream.indirect.gather [hbm4b:s4+s10], $0x10, s10, s10, $0xb8;
	[tilespmem:$0x14820] =	vst v63  }
0x1c: {  	_ =	swait.ge [sflag:s13], $0x7D00  }
0x1d: {  	[sflag:s13] =	ssyncset.done $0x0  }
0x1e: {  	[sflag:s13] =	ssyncadd.s32 $0xFFFF8300  }
0x1f: {  	_ =	swait.ge [sflag:s14], $0x7D00  }
0x20: {  	[sflag:s14] =	ssyncset.done $0x0  }
0x21: {  	[sflag:s14] =	ssyncadd.s32 $0xFFFF8300  }
.LBB2_3:
0x22: {  	v1 =	vor.u32 s19, v0  }
0x23: {  	v10 =	vshll.u32 v1, $0x4  }
0x24: {  	v2 =	vor.u32 $0x8, v10  }
0x25: {  	v3 =	vor.u32 $0x1, v10  }
0x26: {  	v4 =	vor.u32 $0x2, v10  }
0x27: {  	v61 =	vor.u32 $0x5, v10  }
0x28: {  	v16 =	vor.u32 $0x9, v10;
	v9 =	vld.idx.msk [tilespmem:v10+s11+$0x0], $0xffff  }
0x29: {  	v11 =	vld.idx.msk [tilespmem:v2+s12+$0x0], $0xffff  }
0x2a: {  	v8 =	vld.idx.msk [tilespmem:v3+s11+$0x0], $0xffff  }
0x2b: {  	v7 =	vld.idx.msk [tilespmem:v4+s11+$0x0], $0xffff  }
0x2c: {  	v4 =	vld.idx.msk [tilespmem:v61+s11+$0x0], $0xffff  }
0x2d: {  	v16 =	vld.idx.msk [tilespmem:v16+s12+$0x0], $0xffff;
	_ =	sdelay $0x1  }
0x2e: {  	v2 =	vor.u32 $0x3, v10  }
0x2f: {  	v3 =	vor.u32 $0x4, v10;
	v12 =	vadd.f32 v11, v9;
	v14 =	vadd.f32 v11, v8  }
0x30: {  	v15 =	vor.u32 $0x7, v10;
	v63 =	vadd.f32 v11, v7;
	v27 =	vadd.f32 v11, v4  }
0x31: {  	v45 =	vor.u32 $0xA, v10;
	v38 =	vadd.f32 v16, v9;
	v41 =	vadd.f32 v16, v8  }
0x32: {  	v44 =	vadd.f32 v16, v7;
	v13 =	vmul.f32 $9.999999770e-03, v12;
	v62 =	vmul.f32 $9.999999770e-03, v14  }
0x33: {  	v6 =	vld.idx.msk [tilespmem:v2+s11+$0x0], $0xffff;
	v57 =	vadd.f32 v16, v4;
	v21 =	vmul.f32 $9.999999770e-03, v63;
	v30 =	vmul.f32 $9.999999770e-03, v27  }
0x34: {  	v2 =	vor.u32 $0x6, v10;
	v5 =	vld.idx.msk [tilespmem:v3+s11+$0x0], $0xffff;
	v40 =	vmul.f32 $9.999999770e-03, v38;
	v43 =	vmul.f32 $9.999999770e-03, v41  }
0x35: {  	v48 =	vmul.f32 $9.999999770e-03, v44;
	v60 =	vmul.f32 $9.999999770e-03, v57;
	v3 =	vmax.f32 v12, v13  }
0x36: {  	v12 =	vmax.f32 v14, v62;
	v13 =	vmax.f32 v63, v21;
	v33 =	vmax.f32 v27, v30  }
0x37: {  	v42 =	vmax.f32 v38, v40;
	v47 =	vmax.f32 v41, v43;
	v51 =	vmax.f32 v44, v48  }
0x38: {  	v17 =	vmul.f32 $1.442695020e+00, v3;
	v18 =	vadd.f32 v11, v6;
	v12 =	vmul.f32 $1.442695020e+00, v12  }
0x39: {  	v23 =	vadd.f32 v11, v5;
	v24 =	vmul.f32 $1.442695020e+00, v13;
	v35 =	vmul.f32 $1.442695020e+00, v33  }
0x3a: {  	v46 =	vmul.f32 $1.442695020e+00, v42;
	v50 =	vmul.f32 $1.442695020e+00, v47;
	v13 =	vmax.f32 v57, v60  }
0x3b: {  	v3 =	vld.idx.msk [tilespmem:v2+s11+$0x0], $0xffff;
	v49 =	vadd.f32 v16, v6;
	v54 =	vmul.f32 $1.442695020e+00, v51;
	v33 =	vmul.f32 $1.442695020e+00, v13  }
0x3c: {  	v2 =	vld.idx.msk [tilespmem:v15+s11+$0x0], $0xffff;
	v53 =	vadd.f32 v16, v5;
	(erf) = vpow2.f32 v17;
	v22 =	vmul.f32 $9.999999770e-03, v18  }
0x3d: {  	v21 =	vor.u32 $0xB, v10;
	v26 =	vmul.f32 $9.999999770e-03, v23;
	v52 =	vmul.f32 $9.999999770e-03, v49  }
0x3e: {  	v27 =	vor.u32 $0xC, v10;
	v56 =	vmul.f32 $9.999999770e-03, v53;
	(erf) = vpow2.f32 v12  }
0x3f: {  	v17 =	vld.idx.msk [tilespmem:v45+s12+$0x0], $0xffff;
	v25 =	vmax.f32 v18, v22;
	(erf) = vpow2.f32 v24;
	v29 =	vmax.f32 v23, v26  }
0x40: {  	v55 =	vmax.f32 v49, v52;
	v59 =	vmax.f32 v53, v56;
	v28 =	vmul.f32 $1.442695020e+00, v25  }
0x41: {  	v31 =	vadd.f32 v11, v3;
	v32 =	vmul.f32 $1.442695020e+00, v29;
	v11 =	vadd.f32 v11, v2  }
0x42: {  	v58 =	vmul.f32 $1.442695020e+00, v55;
	v61 =	vadd.f32 v16, v3;
	v62 =	vmul.f32 $1.442695020e+00, v59  }
0x43: {  	v16 =	vadd.f32 v16, v2;
	v29 =	vor.u32 $0xD, v10;
	(erf) = vpow2.f32 v28  }
0x44: {  	v34 =	vmul.f32 $9.999999770e-03, v31;
	v19 =	vadd.f32 v17, v8;
	v20 =	vadd.f32 v17, v7  }
0x45: {  	v21 =	vld.idx.msk [tilespmem:v21+s12+$0x0], $0xffff;
	v37 =	vmul.f32 $9.999999770e-03, v11;
	v22 =	vadd.f32 v17, v6;
	v23 =	vadd.f32 v17, v5  }
0x46: {  	v24 =	vadd.f32 v17, v4;
	(erf) = vpow2.f32 v32;
	v32 =	vmul.f32 $9.999999770e-03, v61  }
0x47: {  	v25 =	vadd.f32 v17, v3;
	(erf) = vpow2.f32 v35;
	v35 =	vmul.f32 $9.999999770e-03, v16  }
0x48: {  	v36 =	vmax.f32 v31, v34;
	v42 =	vmul.f32 $9.999999770e-03, v19;
	v45 =	vmul.f32 $9.999999770e-03, v20  }
0x49: {  	v11 =	vmax.f32 v11, v37;
	v48 =	vmul.f32 $9.999999770e-03, v22;
	v51 =	vmul.f32 $9.999999770e-03, v23  }
0x4a: {  	v53 =	vmul.f32 $9.999999770e-03, v24;
	v55 =	vmul.f32 $9.999999770e-03, v25;
	v26 =	vadd.f32 v21, v9  }
0x4b: {  	v28 =	vadd.f32 v21, v8;
	v30 =	vadd.f32 v21, v7;
	v39 =	vmul.f32 $1.442695020e+00, v36  }
0x4c: {  	v11 =	vmul.f32 $1.442695020e+00, v11;
	v14 =	vmax.f32 v61, v32;
	v36 =	vadd.f32 v17, v9  }
0x4d: {  	v17 =	vadd.f32 v17, v2;
	v37 =	vmul.f32 $1.442695020e+00, v14;
	v15 =	vmax.f32 v16, v35  }
0x4e: {  	v18 =	vmax.f32 v19, v42;
	v19 =	vmax.f32 v20, v45;
	v20 =	vmax.f32 v22, v48  }
0x4f: {  	v22 =	vmax.f32 v23, v51;
	v60 =	vmul.f32 $9.999999770e-03, v26;
	(erf) = vpow2.f32 v39  }
0x50: {  	v23 =	vmax.f32 v24, v53;
	v39 =	vmul.f32 $9.999999770e-03, v36;
	v40 =	vmul.f32 $1.442695020e+00, v15  }
0x51: {  	v63 =	vpop (erf);
	v24 =	vmax.f32 v25, v55;
	v49 =	vmul.f32 $1.442695020e+00, v19;
	v52 =	vmul.f32 $1.442695020e+00, v20  }
0x52: {  	v42 =	vadd.f32 v21, v4;
	v34 =	vpop (erf);
	v56 =	vmul.f32 $1.442695020e+00, v23;
	v59 =	vmul.f32 $1.442695020e+00, v24  }
0x53: {  	v27 =	vld.idx.msk [tilespmem:v27+s12+$0x0], $0xffff;
	(erf) = vpow2.f32 v11;
	v25 =	vmax.f32 v26, v60;
	v12 =	vadd.f32 v34, v63  }
0x54: {  	v34 =	vadd.f32 v21, v6;
	v45 =	vmul.f32 $9.999999770e-03, v42;
	(erf) = vpow2.f32 v46  }
0x55: {  	v29 =	vld.idx.msk [tilespmem:v29+s12+$0x0], $0xffff;
	v38 =	vpop (erf);
	v16 =	vmax.f32 v36, v39;
	v46 =	vmul.f32 $1.442695020e+00, v18;
	v63 =	vmul.f32 $1.442695020e+00, v25  }
0x56: {  	(erf) = vpow2.f32 v50;
	v43 =	vmul.f32 $1.442695020e+00, v16;
	v12 =	vadd.f32 v12, v38  }
0x57: {  	v38 =	vadd.f32 v21, v5;
	v48 =	vmax.f32 v42, v45;
	(erf) = vpow2.f32 v54  }
0x58: {  	v42 =	vadd.f32 v27, v3;
	v41 =	vpop (erf);
	v54 =	vmul.f32 $1.442695020e+00, v22;
	(erf) = vpow2.f32 v58  }
0x59: {  	v58 =	vmul.f32 $9.999999770e-03, v17;
	v12 =	vadd.f32 v12, v41;
	v41 =	vmul.f32 $9.999999770e-03, v38  }
0x5a: {  	v31 =	vadd.f32 v29, v9;
	v45 =	vmul.f32 $9.999999770e-03, v42;
	(erf) = vpow2.f32 v62  }
0x5b: {  	v44 =	vpop (erf);
	v62 =	vmul.f32 $9.999999770e-03, v28;
	(erf) = vpow2.f32 v33;
	v17 =	vmax.f32 v17, v58  }
0x5c: {  	v33 =	vmul.f32 $9.999999770e-03, v30;
	v12 =	vadd.f32 v12, v44;
	v44 =	vmax.f32 v38, v41  }
0x5d: {  	v38 =	vadd.f32 v27, v4;
	(erf) = vpow2.f32 v37;
	v61 =	vmul.f32 $1.442695020e+00, v17  }
0x5e: {  	v32 =	vmax.f32 v28, v62;
	v37 =	vmul.f32 $9.999999770e-03, v34;
	v62 =	vadd.f32 v27, v6  }
0x5f: {  	v47 =	vpop (erf);
	(erf) = vpow2.f32 v40;
	v35 =	vmul.f32 $1.442695020e+00, v32;
	v36 =	vmax.f32 v30, v33  }
0x60: {  	v12 =	vadd.f32 v12, v47;
	v47 =	vmul.f32 $1.442695020e+00, v44;
	v41 =	vmul.f32 $9.999999770e-03, v38  }
0x61: {  	(erf) = vpow2.f32 v43;
	v39 =	vmul.f32 $1.442695020e+00, v36;
	v40 =	vmax.f32 v34, v37  }
0x62: {  	v33 =	vmul.f32 $9.999999770e-03, v62;
	v34 =	vadd.f32 v27, v5;
	(erf) = vpow2.f32 v46  }
0x63: {  	v50 =	vpop (erf);
	v43 =	vmul.f32 $1.442695020e+00, v40;
	v46 =	vadd.f32 v21, v3;
	v21 =	vadd.f32 v21, v2  }
0x64: {  	v20 =	vpop (erf);
	v12 =	vadd.f32 v12, v50;
	v50 =	vmul.f32 $1.442695020e+00, v48;
	(erf) = vpow2.f32 v49  }
0x65: {  	v22 =	vpop (erf);
	v36 =	vmax.f32 v62, v33;
	v37 =	vmul.f32 $9.999999770e-03, v34;
	(erf) = vpow2.f32 v52  }
0x66: {  	v57 =	vpop (erf);
	v49 =	vmul.f32 $9.999999770e-03, v46;
	v51 =	vmul.f32 $9.999999770e-03, v21;
	v52 =	vadd.f32 v27, v9  }
0x67: {  	v11 =	vadd.f32 v12, v20;
	v22 =	vadd.f32 v57, v22;
	(erf) = vpow2.f32 v54  }
0x68: {  	v40 =	vmax.f32 v34, v37;
	(erf) = vpow2.f32 v56;
	v26 =	vmax.f32 v46, v49  }
0x69: {  	v24 =	vpop (erf);
	v54 =	vmax.f32 v21, v51;
	v55 =	vmul.f32 $9.999999770e-03, v52;
	v56 =	vadd.f32 v27, v8  }
0x6a: {  	v22 =	vadd.f32 v22, v24;
	v44 =	vmul.f32 $1.442695020e+00, v40;
	v24 =	vmax.f32 v38, v41  }
0x6b: {  	v51 =	vadd.f32 v29, v8;
	v40 =	vadd.f32 v29, v3;
	(erf) = vpow2.f32 v59  }
0x6c: {  	v41 =	vor.u32 $0xF, v10;
	v53 =	vmul.f32 $1.442695020e+00, v26;
	v57 =	vmul.f32 $1.442695020e+00, v54  }
0x6d: {  	v59 =	vadd.f32 v27, v7;
	v27 =	vadd.f32 v27, v2;
	v46 =	vmul.f32 $1.442695020e+00, v24  }
0x6e: {  	v17 =	vpop (erf);
	v26 =	vmax.f32 v42, v45;
	v45 =	vadd.f32 v29, v2;
	(erf) = vpow2.f32 v61  }
0x6f: {  	v21 =	vmax.f32 v52, v55;
	v58 =	vmul.f32 $9.999999770e-03, v56;
	v48 =	vmul.f32 $1.442695020e+00, v26  }
0x70: {  	v13 =	vpop (erf);
	v54 =	vmul.f32 $9.999999770e-03, v51;
	v55 =	vadd.f32 v29, v7;
	(erf) = vpow2.f32 v63  }
0x71: {  	v14 =	vpop (erf);
	v17 =	vadd.f32 v22, v17;
	v60 =	vmul.f32 $1.442695020e+00, v21;
	v61 =	vmul.f32 $9.999999770e-03, v59  }
0x72: {  	v15 =	vpop (erf);
	(erf) = vpow2.f32 v35;
	v23 =	vmax.f32 v56, v58;
	v58 =	vmul.f32 $9.999999770e-03, v55  }
0x73: {  	v16 =	vpop (erf);
	v13 =	vadd.f32 v17, v13;
	(erf) = vpow2.f32 v39;
	v63 =	vmul.f32 $1.442695020e+00, v23  }
0x74: {  	v18 =	vpop (erf);
	v32 =	vmax.f32 v59, v61;
	v39 =	vmul.f32 $1.442695020e+00, v36;
	v59 =	vadd.f32 v29, v6  }
0x75: {  	v25 =	vpop (erf);
	v36 =	vadd.f32 v29, v4;
	(erf) = vpow2.f32 v43;
	v35 =	vmul.f32 $1.442695020e+00, v32  }
0x76: {  	v13 =	vadd.f32 v13, v14;
	v18 =	vadd.f32 v25, v18;
	(erf) = vpow2.f32 v47  }
0x77: {  	v61 =	vmax.f32 v55, v58;
	v47 =	vmul.f32 $9.999999770e-03, v27;
	v62 =	vmul.f32 $9.999999770e-03, v59  }
0x78: {  	v19 =	vpop (erf);
	v43 =	vor.u32 $0xE, v10;
	v33 =	vmul.f32 $1.442695020e+00, v61;
	(erf) = vpow2.f32 v50  }
0x79: {  	v13 =	vadd.f32 v13, v15;
	v50 =	vmul.f32 $9.999999770e-03, v31;
	v18 =	vadd.f32 v18, v19  }
0x7a: {  	(erf) = vpow2.f32 v53;
	v49 =	vmax.f32 v27, v47;
	v47 =	vmul.f32 $9.999999770e-03, v45  }
0x7b: {  	v20 =	vpop (erf);
	v34 =	vmax.f32 v59, v62;
	(erf) = vpow2.f32 v57;
	v52 =	vmul.f32 $1.442695020e+00, v49  }
0x7c: {  	v21 =	vpop (erf);
	v53 =	vmax.f32 v31, v50;
	v57 =	vmax.f32 v51, v54;
	v37 =	vmul.f32 $1.442695020e+00, v34  }
0x7d: {  	v22 =	vpop (erf);
	v18 =	vadd.f32 v18, v20;
	(erf) = vpow2.f32 v60;
	v56 =	vmul.f32 $1.442695020e+00, v53  }
0x7e: {  	v17 =	vpop (erf);
	v60 =	vmul.f32 $1.442695020e+00, v57;
	v50 =	vmax.f32 v45, v47;
	(erf) = vpow2.f32 v63  }
0x7f: {  	v14 =	vpop (erf);
	v30 =	vld.idx.msk [tilespmem:v43+s12+$0x0], $0xffff;
	v63 =	vadd.f32 v29, v5;
	v18 =	vadd.f32 v18, v21;
	(erf) = vpow2.f32 v35  }
0x80: {  	v12 =	vadd.f32 v13, v16;
	v23 =	vpop (erf);
	v53 =	vmul.f32 $1.442695020e+00, v50;
	(erf) = vpow2.f32 v39  }
0x81: {  	v24 =	vpop (erf);
	v35 =	vmul.f32 $9.999999770e-03, v63;
	v18 =	vadd.f32 v18, v22;
	v39 =	vmul.f32 $9.999999770e-03, v36  }
0x82: {  	v23 =	vadd.f32 v24, v23;
	(erf) = vpow2.f32 v44;
	v44 =	vmul.f32 $9.999999770e-03, v40  }
0x83: {  	v15 =	vpop (erf);
	(erf) = vpow2.f32 v46;
	v38 =	vmax.f32 v63, v35;
	v17 =	vadd.f32 v18, v17  }
0x84: {  	v43 =	vmax.f32 v36, v39;
	v15 =	vadd.f32 v23, v15;
	v32 =	vadd.f32 v30, v5  }
0x85: {  	v47 =	vadd.f32 v30, v2;
	(erf) = vpow2.f32 v48;
	v42 =	vmul.f32 $1.442695020e+00, v38  }
0x86: {  	v46 =	vmul.f32 $1.442695020e+00, v43;
	v26 =	vmax.f32 v40, v44;
	v48 =	vadd.f32 v30, v9  }
0x87: {  	v16 =	vpop (erf);
	(erf) = vpow2.f32 v52;
	v10 =	vadd.f32 v17, v14;
	v49 =	vmul.f32 $1.442695020e+00, v26  }
0x88: {  	v52 =	vadd.f32 v30, v8;
	v15 =	vadd.f32 v15, v16;
	v36 =	vmul.f32 $9.999999770e-03, v32  }
0x89: {  	v19 =	vpop (erf);
	(erf) = vpow2.f32 v56;
	v51 =	vmul.f32 $9.999999770e-03, v48;
	v56 =	vadd.f32 v30, v7  }
0x8a: {  	v20 =	vpop (erf);
	v38 =	vld.idx.msk [tilespmem:v41+s12+$0x0], $0xffff;
	(erf) = vpow2.f32 v60;
	v55 =	vmul.f32 $9.999999770e-03, v52;
	v15 =	vadd.f32 v15, v19  }
0x8b: {  	v21 =	vpop (erf);
	v40 =	vmax.f32 v32, v36;
	(erf) = vpow2.f32 v33;
	v59 =	vmul.f32 $9.999999770e-03, v56  }
0x8c: {  	v22 =	vpop (erf);
	v54 =	vmax.f32 v48, v51;
	v43 =	vmul.f32 $1.442695020e+00, v40;
	v51 =	vmul.f32 $9.999999770e-03, v47  }
0x8d: {  	v13 =	vpop (erf);
	v60 =	vadd.f32 v30, v6;
	(erf) = vpow2.f32 v37;
	v57 =	vmul.f32 $1.442695020e+00, v54  }
0x8e: {  	v25 =	vpop (erf);
	v58 =	vmax.f32 v52, v55;
	v37 =	vadd.f32 v30, v4;
	v15 =	vadd.f32 v15, v20  }
0x8f: {  	v63 =	vmul.f32 $9.999999770e-03, v60;
	v9 =	vadd.f32 v38, v9;
	v13 =	vadd.f32 v25, v13  }
0x90: {  	v8 =	vadd.f32 v38, v8;
	v7 =	vadd.f32 v38, v7;
	(erf) = vpow2.f32 v42  }
0x91: {  	v17 =	vpop (erf);
	v61 =	vmul.f32 $1.442695020e+00, v58;
	v62 =	vmax.f32 v56, v59;
	(erf) = vpow2.f32 v46  }
0x92: {  	v18 =	vpop (erf);
	v54 =	vmax.f32 v47, v51;
	v33 =	vmul.f32 $1.442695020e+00, v62;
	v41 =	vmul.f32 $9.999999770e-03, v37  }
0x93: {  	v6 =	vadd.f32 v38, v6;
	v23 =	vpop (erf);
	v55 =	vmul.f32 $9.999999770e-03, v9;
	v56 =	vmul.f32 $1.442695020e+00, v54  }
0x94: {  	v42 =	vadd.f32 v30, v3;
	v58 =	vmul.f32 $9.999999770e-03, v8;
	(erf) = vpow2.f32 v49;
	v16 =	vpop (erf)  }
0x95: {  	v35 =	vmax.f32 v60, v63;
	v28 =	vmul.f32 $9.999999770e-03, v6;
	(erf) = vpow2.f32 v53;
	v34 =	vpop (erf)  }
0x96: {  	v5 =	vadd.f32 v38, v5;
	v39 =	vmul.f32 $1.442695020e+00, v35;
	(erf) = vpow2.f32 v57;
	v20 =	vpop (erf)  }
0x97: {  	v13 =	vadd.f32 v13, v17;
	v46 =	vmul.f32 $9.999999770e-03, v42;
	(erf) = vpow2.f32 v61;
	v44 =	vpop (erf)  }
0x98: {  	v32 =	vmul.f32 $9.999999770e-03, v5;
	v45 =	vmax.f32 v37, v41;
	(erf) = vpow2.f32 v33;
	v49 =	vpop (erf)  }
0x99: {  	v48 =	vmul.f32 $1.442695020e+00, v45;
	v50 =	vmax.f32 v42, v46;
	(erf) = vpow2.f32 v39;
	v53 =	vpop (erf)  }
0x9a: {  	v9 =	vmax.f32 v9, v55;
	v52 =	vmul.f32 $1.442695020e+00, v50;
	(erf) = vpow2.f32 v43;
	v57 =	vpop (erf)  }
0x9b: {  	v13 =	vadd.f32 v13, v18;
	v9 =	vmul.f32 $1.442695020e+00, v9;
	(erf) = vpow2.f32 v48;
	v59 =	vpop (erf)  }
0x9c: {  	v8 =	vmax.f32 v8, v58;
	v61 =	vmul.f32 $9.999999770e-03, v7;
	(erf) = vpow2.f32 v52;
	v60 =	vpop (erf)  }
0x9d: {  	v4 =	vadd.f32 v38, v4;
	v8 =	vmul.f32 $1.442695020e+00, v8;
	(erf) = vpow2.f32 v56;
	v62 =	vpop (erf)  }
0x9e: {  	v13 =	vadd.f32 v13, v23;
	v7 =	vmax.f32 v7, v61;
	(erf) = vpow2.f32 v9;
	v63 =	vpop (erf)  }
0x9f: {  	v3 =	vadd.f32 v38, v3;
	v7 =	vmul.f32 $1.442695020e+00, v7;
	v30 =	vpop (erf);
	(erf) = vpow2.f32 v8  }
0xa0: {  	v35 =	vmul.f32 $9.999999770e-03, v4;
	v6 =	vmax.f32 v6, v28;
	v13 =	vadd.f32 v13, v16;
	v31 =	vpop (erf)  }
0xa1: {  	v2 =	vadd.f32 v38, v2;
	v6 =	vmul.f32 $1.442695020e+00, v6;
	(erf) = vpow2.f32 v7;
	v33 =	vpop (erf)  }
0xa2: {  	v38 =	vmul.f32 $9.999999770e-03, v3;
	v5 =	vmax.f32 v5, v32;
	v13 =	vadd.f32 v13, v34;
	v34 =	vpop (erf)  }
0xa3: {  	v15 =	vadd.f32 v15, v21;
	v5 =	vmul.f32 $1.442695020e+00, v5;
	(erf) = vpow2.f32 v6;
	v36 =	vpop (erf)  }
0xa4: {  	v41 =	vmul.f32 $9.999999770e-03, v2;
	v4 =	vmax.f32 v4, v35;
	v21 =	vadd.f32 v49, v44;
	v37 =	vpop (erf)  }
0xa5: {  	v15 =	vadd.f32 v15, v22;
	v4 =	vmul.f32 $1.442695020e+00, v4;
	(erf) = vpow2.f32 v5;
	v39 =	vpop (erf)  }
0xa6: {  	v3 =	vmax.f32 v3, v38;
	v21 =	vadd.f32 v21, v53;
	v8 =	vadd.f32 v31, v30;
	v40 =	vpop (erf)  }
0xa7: {  	v3 =	vmul.f32 $1.442695020e+00, v3;
	v2 =	vmax.f32 v2, v41;
	(erf) = vpow2.f32 v4;
	v42 =	vpop (erf)  }
0xa8: {  	v2 =	vmul.f32 $1.442695020e+00, v2;
	v43 =	vadd.f32 v21, v57;
	v8 =	vadd.f32 v8, v33;
	v44 =	vpop (erf)  }
0xa9: {  	v13 =	vadd.f32 v13, v20;
	(erf) = vpow2.f32 v3;
	v16 =	vadd.f32 v44, v42  }
0xaa: {  	v45 =	vadd.f32 v8, v34;
	v3 =	vadd.f32 v43, v59;
	v46 =	vpop (erf)  }
0xab: {  	(erf) = vpow2.f32 v2;
	v2 =	vadd.f32 v12, v11;
	v7 =	vadd.f32 v16, v46  }
0xac: {  	v4 =	vadd.f32 v45, v36;
	v3 =	vadd.f32 v3, v60;
	v47 =	vpop (erf)  }
0xad: {  	v2 =	vadd.f32 v10, v2;
	v7 =	vadd.f32 v7, v47  }
0xae: {  	v4 =	vadd.f32 v4, v37;
	v3 =	vadd.f32 v3, v62;
	v48 =	vpop (erf)  }
0xaf: {  	v2 =	vadd.f32 v15, v2;
	v49 =	vadd.f32 v7, v48  }
0xb0: {  	v4 =	vadd.f32 v4, v39;
	v3 =	vadd.f32 v3, v63;
	v50 =	vpop (erf)  }
0xb1: {  	v2 =	vadd.f32 v13, v2;
	v6 =	vadd.f32 v49, v50  }
0xb2: {  	v4 =	vadd.f32 v4, v40;
	v51 =	vpop (erf)  }
0xb3: {  	v2 =	vadd.f32 v3, v2;
	v52 =	vadd.f32 v6, v51  }
0xb4: {  	v53 =	vpop (erf)  }
0xb5: {  	v2 =	vadd.f32 v4, v2;
	v5 =	vadd.f32 v52, v53;
	_ =	sdelay $0x1  }
0xb6: {  	v2 =	vadd.f32 v5, v2;
	_ =	sdelay $0x1  }
0xb7: {  	(erf) = vrcp.f32 v2;
	_ =	sdelay $0x6  }
0xb8: {  	v1 =	vshll.u32 v1, $0x3  }
0xb9: {  	v2 =	vor.u32 $0x1, v1  }
0xba: {  	v55 =	vor.u32 $0x2, v1;
	v54 =	vpop (erf)  }
0xbb: {  	v57 =	vor.u32 $0x3, v1;
	v56 =	vmul.f32 v54, v11  }
0xbc: {  	v59 =	vor.u32 $0x4, v1;
	v58 =	vmul.f32 v54, v12  }
0xbd: {  	v61 =	vor.u32 $0x5, v1;
	v60 =	vmul.f32 v54, v10;
	[tilespmem:v1+s15+$0x0] =	vst.idx.msk $0xffff, v56  }
0xbe: {  	v62 =	vor.u32 $0x6, v1;
	[tilespmem:v2+s15+$0x0] =	vst.idx.msk $0xffff, v58;
	v2 =	vmul.f32 v54, v15  }
0xbf: {  	p0 =	sne.s32 s19, $0x7C0;
	v63 =	vmul.f32 v54, v13;
	v1 =	vor.u32 $0x7, v1;
	[tilespmem:v55+s15+$0x0] =	vst.idx.msk $0xffff, v60  }
.Ltmp0:
0xc0: {  	[tilespmem:v57+s15+$0x0] =	vst.idx.msk $0xffff, v2;
	v2 =	vmul.f32 v54, v3;
	(pc) =	sbr.rel @p0 .LBB2_3-.Ltmp0, $4  }
0xc1: {  	v3 =	vmul.f32 v54, v4;
	[tilespmem:v59+s15+$0x0] =	vst.idx.msk $0xffff, v63  }
0xc2: {  	[tilespmem:v61+s15+$0x0] =	vst.idx.msk $0xffff, v2;
	v2 =	vmul.f32 v54, v5  }
0xc3: {  	[tilespmem:v62+s15+$0x0] =	vst.idx.msk $0xffff, v3  }
0xc4: {  	s19 =	sadd.s32 $0x10, s19;
	[tilespmem:v1+s15+$0x0] =	vst.idx.msk $0xffff, v2  }
0xc5: {  	s17 =	sadd.s32 $0x1, s17  }
0xc6: {  	p0 =	sne.s32 s17, $0x5  }
.Ltmp1:
0xc7: {  	s18 =	sadd.s32 s1, s18;
	(pc) =	sbr.rel @p0 .LBB2_2-.Ltmp1, $4  }
0xc8: {  	[hbm4b:s18+s2] =	stream.linear.scatter [tilespmem:s15], [sflag:$0x3], $0x3E80, $0x38;
	[tilespmem:$0x14820] =	vst v63  }
0xc9: {  	_ =	swait.ge [sflag:s9], $0x3E80  }
0xca: {  	[sflag:s9] =	ssyncset.done $0x0  }
0xcb: {  	[sflag:s9] =	ssyncadd.s32 $0xFFFFC180  }
0xcc: {  	s16 =	sadd.s32 $0x1, s16  }
0xcd: {  	p0 =	sne.s32 s16, s8  }
.Ltmp2:
0xce: {  	_ = 	snop;
	(pc) =	sbr.rel @p0 .LBB2_1-.Ltmp2, $1  }
0xcf: {  	_ =	sdelay $0x3  }
0xd0: {  	_ =	sfence.sel $0x180000  }
0xd1: {  	[bflag:$0x0] =	sbarrier.arrive $0xFFFF  }
0xd2: {  	p0 =	sne.s32 s3, $0x0;
	_ =	strace $0x90000047  }
0xd3: {  	s0 =	sadd.s32 @!p0 $0x100000, s0;
	[bflag:$0x2] =	sbarrier.arrive $0xFFFF  }
0xd4: {  	[sflag:s0] =	ssyncadd.tile.s32 @!p0 $0x1;
	_ =	shalt  }
.Lfunc_end2:
_tile_overlayer_lowered:
.L_overlay_start_2:
0xd5: {  	(tag) =	ssettag $0x2  }
0xd6: {  	s0 =	rddreg [dreg:$0x0];
	s2 =	stileid.u32  }
0xd7: {  	s1 =	rddreg [dreg:$0x1];
	p0 =	sne.s32 s2, $0x0  }
0xd8: {  	s3 =	rddreg [dreg:$0x2];
	[bflag:$0x3] =	sbarrier.arrive $0xFFFF;
	s2 =	simm.s32 @!p0 $0x1C03  }
0xd9: {  	[timem:s3], [sflag:s2] =	dma.local @!p0 [hbm:s0], s1  }
0xda: {  	s0 =	simm.s32 @!p0 $0x3  }
0xdb: {  	_ =	swait.ge @!p0 [sflag:s0], s1  }
0xdc: {  	s1 =	ssub.s32 @!p0 $0x0, s1;
	[sflag:s0] =	ssyncset.done @!p0 $0x0  }
0xdd: {  	[sflag:s0] =	ssyncadd.s32 @!p0 s1  }
0xde: {  	[bflag:$0x3] =	sbarrier.arrive $0xFFFF  }
0xdf: {  	_ =	shalt  }

</sc_bundles>
